<compile_context>
chip_gen: v7x
topology: tpu7x:2x2x1
jax: 0.10.2.dev20260603
libtpu: 0.0.44.dev20260713+nightly
codegen_flags: <defaults>
</compile_context>

<pallas_src>
import functools
import math

import jax
import jax.numpy as jnp
from jax import lax
from jax.experimental import pallas as pl
from jax.experimental.pallas import tpu as pltpu
from jax.experimental.pallas import tpu_sc as plsc

D_MODEL = 1024
N_EXPERTS = 8
TOP_K = 2
N_TOKENS = 2048
CAP = math.floor(TOP_K * 1.25 * N_TOKENS / N_EXPERTS)
CAP += CAP % 2
SLOTS = N_EXPERTS * CAP
DUMMY_SLOT = SLOTS
PAD_ROW = N_TOKENS

LANES = 128
BLK_A = 256
BLK_B = 256



def _meta_body(x_ref, wt_ref, kept_ref, wk_ref, slots_ref, smask_ref,
               xpad_ref, carry_ref):
    i = pl.program_id(0)

    @pl.when(i == 0)
    def _():
        carry_ref[...] = jnp.zeros_like(carry_ref)

    @pl.when(i >= N_TOKENS // BLK_A)
    def _():
        xpad_ref[...] = jnp.zeros_like(xpad_ref)

    @pl.when(i < N_TOKENS // BLK_A)
    def _main():
        _meta_step(x_ref, wt_ref, kept_ref, wk_ref, slots_ref, smask_ref,
                   xpad_ref, carry_ref)


def _meta_step(x_ref, wt_ref, kept_ref, wk_ref, slots_ref, smask_ref,
               xpad_ref, carry_ref):
    xpad_ref[...] = x_ref[...]
    g = jnp.dot(x_ref[...], wt_ref[...], preferred_element_type=jnp.float32)
    lane = lax.broadcasted_iota(jnp.int32, (BLK_A, LANES), 1)
    neg = jnp.float32(-1e30)
    g = jnp.where(lane < N_EXPERTS, g, neg)

    m1 = jnp.max(g, axis=1, keepdims=True)
    i1 = jnp.min(jnp.where(g == m1, lane, LANES - 1), axis=1, keepdims=True)
    g2 = jnp.where(lane == i1, neg, g)
    m2 = jnp.max(g2, axis=1, keepdims=True)
    i2 = jnp.min(jnp.where(g2 == m2, lane, LANES - 1), axis=1, keepdims=True)

    t = jnp.exp(m2 - m1)
    denom = 1.0 + t
    ew1 = 1.0 / denom
    ew2 = t / denom
    sel1 = lane == i1
    sel2 = lane == i2
    self32 = jnp.where(sel1 | sel2, 1.0, 0.0).astype(jnp.float32)
    wte = jnp.where(sel1, ew1, 0.0) + jnp.where(sel2, ew2, 0.0)

    r_ = lax.broadcasted_iota(jnp.int32, (BLK_A, BLK_A), 0)
    c_ = lax.broadcasted_iota(jnp.int32, (BLK_A, BLK_A), 1)
    tril = jnp.where(r_ >= c_, 1.0, 0.0).astype(jnp.float32)
    cs = jnp.dot(tril, self32, preferred_element_type=jnp.float32)

    carry = carry_ref[0:1, :]
    rank = carry + cs - 1.0
    keptf = self32 * jnp.where(rank < CAP, 1.0, 0.0)
    kept_ref[...] = keptf
    wk_ref[...] = keptf * wte

    carry_new = carry + cs[BLK_A - 1:BLK_A, :]
    carry_ref[0:1, :] = carry_new

    rank1 = jnp.sum(jnp.where(sel1, rank, 0.0), axis=1, keepdims=True)
    rank2 = jnp.sum(jnp.where(sel2, rank, 0.0), axis=1, keepdims=True)
    s1 = jnp.where(rank1 < CAP, i1 * CAP + rank1.astype(jnp.int32), DUMMY_SLOT)
    s2 = jnp.where(rank2 < CAP, i2 * CAP + rank2.astype(jnp.int32), DUMMY_SLOT)
    slots_ref[...] = jnp.where(lane == 0, s1, jnp.where(lane == 1, s2, DUMMY_SLOT))

    lf = jnp.minimum(carry_new, jnp.float32(CAP))
    sub8 = lax.broadcasted_iota(jnp.int32, (N_EXPERTS, LANES), 0)
    lane8 = lax.broadcasted_iota(jnp.int32, (N_EXPERTS, LANES), 1)
    lcol = jnp.sum(
        jnp.where(sub8 == lane8, jnp.broadcast_to(lf, (N_EXPERTS, LANES)), 0.0),
        axis=1, keepdims=True)
    cpos = lax.broadcasted_iota(jnp.int32, (N_EXPERTS, CAP), 1).astype(jnp.float32)
    smask_ref[...] = jnp.where(cpos < lcol, 1.0, 0.0)


N_BLOCKS_A = N_TOKENS // BLK_A
XPAD_ROWS = (N_BLOCKS_A + 1) * BLK_A


def _clamp_a(i):
    return (jnp.minimum(i, N_BLOCKS_A - 1), 0)


def _make_meta_call(interpret=False):
    return pl.pallas_call(
        _meta_body,
        interpret=interpret,
        grid=(N_BLOCKS_A + 1,),
        in_specs=[
            pl.BlockSpec((BLK_A, D_MODEL), _clamp_a),
            pl.BlockSpec((D_MODEL, LANES), lambda i: (0, 0)),
        ],
        out_specs=[
            pl.BlockSpec((BLK_A, LANES), _clamp_a),
            pl.BlockSpec((BLK_A, LANES), _clamp_a),
            pl.BlockSpec((BLK_A, LANES), _clamp_a),
            pl.BlockSpec((N_EXPERTS, CAP), lambda i: (0, 0)),
            pl.BlockSpec((BLK_A, D_MODEL), lambda i: (i, 0)),
        ],
        out_shape=[
            jax.ShapeDtypeStruct((N_TOKENS, LANES), jnp.float32),
            jax.ShapeDtypeStruct((N_TOKENS, LANES), jnp.float32),
            jax.ShapeDtypeStruct((N_TOKENS, LANES), jnp.int32),
            jax.ShapeDtypeStruct((N_EXPERTS, CAP), jnp.float32),
            jax.ShapeDtypeStruct((XPAD_ROWS, D_MODEL), jnp.float32),
        ],
        scratch_shapes=[pltpu.VMEM((8, LANES), jnp.float32)],
    )


_meta_call = _make_meta_call()



def _write_body(kept_ref, wk_ref, smask_ref, fw_ref, mk_ref):
    k8 = kept_ref[:, 0:N_EXPERTS]
    w8 = wk_ref[:, 0:N_EXPERTS]
    sm = smask_ref[...]
    mk_ref[...] = k8[:, :, None] * sm[None, :, :]
    fw_ref[...] = w8[:, :, None] * sm[None, :, :]


def _make_write_call(interpret=False):
    return pl.pallas_call(
        _write_body,
        interpret=interpret,
        grid=(N_TOKENS // BLK_B,),
        in_specs=[
            pl.BlockSpec((BLK_B, LANES), lambda i: (i, 0)),
            pl.BlockSpec((BLK_B, LANES), lambda i: (i, 0)),
            pl.BlockSpec((N_EXPERTS, CAP), lambda i: (0, 0)),
        ],
        out_specs=[
            pl.BlockSpec((BLK_B, N_EXPERTS, CAP), lambda i: (i, 0, 0)),
            pl.BlockSpec((BLK_B, N_EXPERTS, CAP), lambda i: (i, 0, 0)),
        ],
        out_shape=[
            jax.ShapeDtypeStruct((N_TOKENS, N_EXPERTS, CAP), jnp.float32),
            jax.ShapeDtypeStruct((N_TOKENS, N_EXPERTS, CAP), jnp.float32),
        ],
    )


_write_call = _make_write_call()



_SC_NC = 2
_SC_NS = 16
_SC_NW = _SC_NC * _SC_NS
_TBL = 5152
_PER_W = SLOTS // _SC_NW
_CHUNK = 16
_NCHUNK = _PER_W // _CHUNK
_NBUF = 4
_INIT_PER = SLOTS // _SC_NS
_SCAT_PER = (N_TOKENS * TOP_K) // _SC_NS


def _gather_body(slots_hbm, xpad_hbm, out_hbm, pad_v, slots_v, tok_v, tbl_sh,
                 myidx_v, buf0, buf1, buf2, buf3,
                 sem_g0, sem_g1, sem_g2, sem_g3,
                 sem_w0, sem_w1, sem_w2, sem_w3):
    cid = lax.axis_index("c")
    sid = lax.axis_index("s")
    wid = cid * _SC_NS + sid

    with jax.named_scope("sc_phase_init"):
        def _pad(i, c):
            pad_v[pl.ds(i * 16, 16)] = jnp.full((16,), PAD_ROW, jnp.int32)
            return c
        lax.fori_loop(0, _INIT_PER // 16, _pad, 0)
        pltpu.sync_copy(pad_v, tbl_sh.at[pl.ds(sid * _INIT_PER, _INIT_PER)])

        pltpu.sync_copy(slots_hbm.at[pl.ds(sid * _SCAT_PER, _SCAT_PER)], slots_v)

        def _fix(i, c):
            s = slots_v[pl.ds(i * 16, 16)]
            slots_v[pl.ds(i * 16, 16)] = jnp.where(s >= SLOTS, SLOTS + sid, s)
            return c
        lax.fori_loop(0, _SCAT_PER // 16, _fix, 0)

        def _tok(i, c):
            tok_v[pl.ds(i * 16, 16)] = (
                sid * _SCAT_PER + i * 16 + lax.iota(jnp.int32, 16)) >> 1
            return c
        lax.fori_loop(0, _SCAT_PER // 16, _tok, 0)

    with jax.named_scope("sc_phase_scatter"):
        plsc.subcore_barrier()
        pltpu.sync_copy(tok_v, tbl_sh.at[slots_v])
        plsc.subcore_barrier()

    base = wid * _PER_W
    pltpu.sync_copy(tbl_sh.at[pl.ds(base, _PER_W)], myidx_v)

    bufs = [buf0, buf1, buf2, buf3]
    gsems = [sem_g0, sem_g1, sem_g2, sem_g3]
    wsems = [sem_w0, sem_w1, sem_w2, sem_w3]

    def _gather(ch, buf, sem):
        return pltpu.async_copy(
            xpad_hbm.at[myidx_v.at[pl.ds(ch * _CHUNK, _CHUNK)]], buf, sem)

    def _write(ch, buf, sem):
        return pltpu.async_copy(
            buf, out_hbm.at[pl.ds(base + ch * _CHUNK, _CHUNK)], sem)

    with jax.named_scope("sc_phase_gather"):
        g = [_gather(b, bufs[b], gsems[b]) for b in range(_NBUF)]
        g += [None] * (_NCHUNK - _NBUF)
        w = [None] * _NCHUNK
        for i in range(_NCHUNK):
            b = i % _NBUF
            g[i].wait()
            w[i] = _write(i, bufs[b], wsems[b])
            if i + _NBUF < _NCHUNK:
                w[i].wait()
                g[i + _NBUF] = _gather(i + _NBUF, bufs[b], gsems[b])
        for i in range(_NCHUNK - _NBUF, _NCHUNK):
            w[i].wait()


@functools.cache
def _gather_call():
    return functools.partial(
        pl.kernel,
        mesh=plsc.VectorSubcoreMesh(core_axis_name="c", subcore_axis_name="s"),
        out_type=jax.ShapeDtypeStruct((SLOTS, D_MODEL), jnp.float32),
        scratch_types=[
            pltpu.VMEM((_INIT_PER,), jnp.int32),
            pltpu.VMEM((_SCAT_PER,), jnp.int32),
            pltpu.VMEM((_SCAT_PER,), jnp.int32),
            pltpu.VMEM_SHARED((_TBL,), jnp.int32),
            pltpu.VMEM((_PER_W,), jnp.int32),
            pltpu.VMEM((_CHUNK, D_MODEL), jnp.float32),
            pltpu.VMEM((_CHUNK, D_MODEL), jnp.float32),
            pltpu.VMEM((_CHUNK, D_MODEL), jnp.float32),
            pltpu.VMEM((_CHUNK, D_MODEL), jnp.float32),
            pltpu.SemaphoreType.DMA,
            pltpu.SemaphoreType.DMA,
            pltpu.SemaphoreType.DMA,
            pltpu.SemaphoreType.DMA,
            pltpu.SemaphoreType.DMA,
            pltpu.SemaphoreType.DMA,
            pltpu.SemaphoreType.DMA,
            pltpu.SemaphoreType.DMA,
        ],
    )(_gather_body)


def kernel(x, W_gate):
    xf = x.reshape(N_TOKENS, D_MODEL)
    wt = jnp.zeros((D_MODEL, LANES), jnp.float32).at[:, :N_EXPERTS].set(W_gate.T)
    keptf, wk, slots128, smask, xpad = _meta_call(xf, wt)
    slots = slots128[:, :TOP_K].reshape(N_TOKENS * TOP_K)
    fw, mk = _write_call(keptf, wk, smask)
    eb = _gather_call()(slots, xpad)
    return fw, mk, eb.reshape(N_EXPERTS, CAP, D_MODEL)

# --- scband reference (transcript-rebuilt; emitter-appended) ---
"""Pipeline reference for scband-router-13761075216758 (READ-ONLY COPY).

The authoritative reference and input builder live on the scoring server;
editing this copy changes nothing except your own understanding.
"""

import math
import jax
import jax.numpy as jnp
import numpy as np

D_MODEL = 1024
N_EXPERTS = 8
TOP_K = 2
CAPACITY_FACTOR = 1.25
BATCH = 1
SEQ = 2048


def setup_inputs(seed: int = 0):
    key = jax.random.key(seed)
    k1, k2 = jax.random.split(key)
    x = jax.random.normal(k1, (BATCH, SEQ, D_MODEL), dtype=jnp.float32)
    W_gate = jax.random.normal(k2, (N_EXPERTS, D_MODEL), dtype=jnp.float32) * (1.0 / np.sqrt(D_MODEL))
    return {"x": x, "W_gate": W_gate}


def _route(x, W_gate):
    B, S, d = x.shape
    N = B * S
    C = math.floor(TOP_K * CAPACITY_FACTOR * N / N_EXPERTS)
    C += C % 2
    xf = x.reshape(N, d)
    # gate scores (use_noisy_top_k=False -> no noise branch)
    gate = xf @ W_gate.T
    # select top-k experts, softmax over the masked full score vector, gather back
    vals, idx = jax.lax.top_k(gate, TOP_K)
    full = jnp.full((N, N_EXPERTS), -jnp.inf, dtype=gate.dtype)
    full = full.at[jnp.arange(N)[:, None], idx].set(vals)
    sm = jax.nn.softmax(full, axis=-1)
    ew = jnp.take_along_axis(sm, idx, axis=-1)  # [N, K]
    # per (token, expert) selection mask
    onehot = jax.nn.one_hot(idx, N_EXPERTS, dtype=xf.dtype)  # [N, K, E]
    sel = onehot.sum(axis=1) > 0  # [N, E] bool
    # position of each selected token within the ordered list for its expert
    rank = jnp.cumsum(sel.astype(jnp.int32), axis=0) - 1  # [N, E]
    kept = sel & (rank < C)  # capacity truncation (keeps first C tokens in order)
    L = jnp.minimum(sel.sum(axis=0), C)  # [E] truncated count per expert
    pos = jnp.arange(C)
    # torch semantics: mask[token_indices, e, :L] = True sets first L slots for every kept token
    mask = kept[:, :, None] & (pos[None, None, :] < L[None, :, None])  # [N, E, C]
    # per (token, expert) combined routing weight
    wte = jnp.sum(ew[:, :, None] * onehot, axis=1)  # [N, E]
    final_weights = mask.astype(xf.dtype) * wte[:, :, None]  # [N, E, C]
    # expert input batches: kept tokens packed in order
    batches = []
    for e in range(N_EXPERTS):
        pos_e = jnp.where(kept[:, e], rank[:, e], C)  # C is OOB -> dropped
        be = jnp.zeros((C, d), xf.dtype).at[pos_e].set(xf, mode="drop")
        batches.append(be)
    expert_batches = jnp.stack(batches, axis=0)  # [E, C, d]
    return final_weights, mask.astype(jnp.float32), expert_batches


def reference(x, W_gate):
    return _route(x, W_gate)

if __name__ == "__main__":
    import jax
    _d = setup_inputs()
    print(jax.jit(kernel)(*tuple(_d.values())))

</pallas_src>

<mosaic_0001>
#map = affine_map<(d0, d1) -> (0)>
#map1 = affine_map<(d0, d1) -> (0, 0)>
module attributes {stable_mosaic.version = 14 : i64} {
  func.func @_gather_body(%arg0: i32, %arg1: i32, %arg2: memref<4096xi32, #tpu.memory_space<hbm>>, %arg3: memref<2304x1024xf32, #tpu.memory_space<hbm>>, %arg4: memref<5120x1024xf32, #tpu.memory_space<hbm>>, %arg5: memref<320xi32, #tpu.memory_space<vmem>>, %arg6: memref<256xi32, #tpu.memory_space<vmem>>, %arg7: memref<256xi32, #tpu.memory_space<vmem>>, %arg8: memref<5152xi32, #tpu.memory_space<vmem_shared>>, %arg9: memref<160xi32, #tpu.memory_space<vmem>>, %arg10: memref<16x1024xf32, #tpu.memory_space<vmem>>, %arg11: memref<16x1024xf32, #tpu.memory_space<vmem>>, %arg12: memref<16x1024xf32, #tpu.memory_space<vmem>>, %arg13: memref<16x1024xf32, #tpu.memory_space<vmem>>, %arg14: memref<!tpu.dma_semaphore, #tpu.memory_space<semaphore_mem>>, %arg15: memref<!tpu.dma_semaphore, #tpu.memory_space<semaphore_mem>>, %arg16: memref<!tpu.dma_semaphore, #tpu.memory_space<semaphore_mem>>, %arg17: memref<!tpu.dma_semaphore, #tpu.memory_space<semaphore_mem>>, %arg18: memref<!tpu.dma_semaphore, #tpu.memory_space<semaphore_mem>>, %arg19: memref<!tpu.dma_semaphore, #tpu.memory_space<semaphore_mem>>, %arg20: memref<!tpu.dma_semaphore, #tpu.memory_space<semaphore_mem>>, %arg21: memref<!tpu.dma_semaphore, #tpu.memory_space<semaphore_mem>>) attributes {dimension_semantics = [#tpu.dimension_semantics<core_parallel>, #tpu.dimension_semantics<subcore_parallel>], iteration_bounds = array<i64: 2, 16>, scalar_prefetch = 0 : i64, scratch_operands = 17 : i64, tpu.core_type = #tpu.core_type<sc_vector_subcore>, window_params = [{transform_indices = #map}, {transform_indices = #map1}, {transform_indices = #map1}]} {
    %mul3A = arith.constant 16 : i32
    %mul3A_0 = arith.muli %arg0, %mul3A : i32
    %add3A = arith.addi %mul3A_0, %arg1 : i32
    "tpu.trace_start"() <{level = 10 : i32, message = "sc_phase_init"}> : () -> ()
    %scan3A = arith.constant 0 : i32
    %scan3A_1 = arith.constant 0 : i32
    %scan3A_2 = arith.constant 20 : i32
    %scan3A_3 = arith.addi %scan3A_1, %scan3A_2 : i32
    %scan3A_4 = arith.constant 1 : i32
    scf.for %scan3A_223 = %scan3A_1 to %scan3A_3 step %scan3A_4  : i32 {
      %broadcast_in_dim3A = arith.constant 2048 : i32
      %broadcast_in_dim3A_224 = vector.broadcast %broadcast_in_dim3A : i32 to vector<16xi32>
      %mul3A_225 = arith.constant 16 : i32
      %mul3A_226 = arith.muli %scan3A_223, %mul3A_225 : i32
      %swap3A = arith.index_cast %mul3A_226 : i32 to index
      %swap3A_227 = tpu.vector_load %arg5[%swap3A] {strides = array<i32>} : memref<320xi32, #tpu.memory_space<vmem>>, vector<16xi32>,
      %swap3A_228 = vector.shape_cast %swap3A_227 : vector<16xi32> to vector<16xi32>
      %swap3A_229 = vector.shape_cast %broadcast_in_dim3A_224 : vector<16xi32> to vector<16xi32>
      tpu.vector_store %arg5[%swap3A], %swap3A_229 {strides = array<i32>} : memref<320xi32, #tpu.memory_space<vmem>>, vector<16xi32>,
    }
    %scan3A_5 = arith.constant 20 : i32
    %mul3A_6 = arith.constant 320 : i32
    %mul3A_7 = arith.muli %arg1, %mul3A_6 : i32
    "tpu.region"() ({
      %run_scoped3A = tpu.sem_alloc : memref<!tpu.dma_semaphore, #tpu.memory_space<semaphore_mem>>
      %dma_start3A_223 = tpu.memref_slice %arg8[%mul3A_7] : memref<5152xi32, #tpu.memory_space<vmem_shared>> -> memref<320xi32, #tpu.memory_space<vmem_shared>>
      %dma_start3A_224 = tpu.memref_slice %arg8[%mul3A_7] : memref<5152xi32, #tpu.memory_space<vmem_shared>> -> memref<320xi32, #tpu.memory_space<vmem_shared>>
      tpu.enqueue_dma source(%arg5 : memref<320xi32, #tpu.memory_space<vmem>>) target(%dma_start3A_224 : memref<320xi32, #tpu.memory_space<vmem_shared>>) target_semaphore(%run_scoped3A : memref<!tpu.dma_semaphore, #tpu.memory_space<semaphore_mem>>)
      %dma_wait3A_225 = tpu.memref_slice %arg8[%mul3A_7] : memref<5152xi32, #tpu.memory_space<vmem_shared>> -> memref<320xi32, #tpu.memory_space<vmem_shared>>
      %dma_wait3A_226 = tpu.memref_slice %arg8[%mul3A_7] : memref<5152xi32, #tpu.memory_space<vmem_shared>> -> memref<320xi32, #tpu.memory_space<vmem_shared>>
      tpu.wait_dma2 semaphore(%run_scoped3A : memref<!tpu.dma_semaphore, #tpu.memory_space<semaphore_mem>>) src(%arg5 : memref<320xi32, #tpu.memory_space<vmem>>) dst(%dma_wait3A_226 : memref<320xi32, #tpu.memory_space<vmem_shared>>)
      tpu.yield
    }) : () -> ()
    %mul3A_8 = arith.constant 256 : i32
    %mul3A_9 = arith.muli %arg1, %mul3A_8 : i32
    "tpu.region"() ({
      %run_scoped3A = tpu.sem_alloc : memref<!tpu.dma_semaphore, #tpu.memory_space<semaphore_mem>>
      %dma_start3A_223 = tpu.memref_slice %arg2[%mul3A_9] : memref<4096xi32, #tpu.memory_space<hbm>> -> memref<256xi32, #tpu.memory_space<hbm>>
      %dma_start3A_224 = tpu.memref_slice %arg2[%mul3A_9] : memref<4096xi32, #tpu.memory_space<hbm>> -> memref<256xi32, #tpu.memory_space<hbm>>
      tpu.enqueue_dma source(%dma_start3A_224 : memref<256xi32, #tpu.memory_space<hbm>>) target(%arg6 : memref<256xi32, #tpu.memory_space<vmem>>) target_semaphore(%run_scoped3A : memref<!tpu.dma_semaphore, #tpu.memory_space<semaphore_mem>>)
      %dma_wait3A_225 = tpu.memref_slice %arg2[%mul3A_9] : memref<4096xi32, #tpu.memory_space<hbm>> -> memref<256xi32, #tpu.memory_space<hbm>>
      %dma_wait3A_226 = tpu.memref_slice %arg2[%mul3A_9] : memref<4096xi32, #tpu.memory_space<hbm>> -> memref<256xi32, #tpu.memory_space<hbm>>
      tpu.wait_dma2 semaphore(%run_scoped3A : memref<!tpu.dma_semaphore, #tpu.memory_space<semaphore_mem>>) src(%dma_wait3A_226 : memref<256xi32, #tpu.memory_space<hbm>>) dst(%arg6 : memref<256xi32, #tpu.memory_space<vmem>>)
      tpu.yield
    }) : () -> ()
    %scan3A_10 = arith.constant 0 : i32
    %scan3A_11 = arith.constant 0 : i32
    %scan3A_12 = arith.constant 16 : i32
    %scan3A_13 = arith.addi %scan3A_11, %scan3A_12 : i32
    %scan3A_14 = arith.constant 1 : i32
    scf.for %scan3A_223 = %scan3A_11 to %scan3A_13 step %scan3A_14  : i32 {
      %mul3A_224 = arith.constant 16 : i32
      %mul3A_225 = arith.muli %scan3A_223, %mul3A_224 : i32
      %get3A = arith.index_cast %mul3A_225 : i32 to index
      %get3A_226 = tpu.vector_load %arg6[%get3A] {strides = array<i32>} : memref<256xi32, #tpu.memory_space<vmem>>, vector<16xi32>,
      %get3A_227 = vector.shape_cast %get3A_226 : vector<16xi32> to vector<16xi32>
      %ge3A = arith.constant 5120 : i32
      %ge3A_228 = vector.broadcast %ge3A : i32 to vector<16xi32>
      %ge3A_229 = arith.cmpi sge, %get3A_227, %ge3A_228 : vector<16xi32>
      %add3A_230 = arith.constant 5120 : i32
      %add3A_231 = arith.addi %add3A_230, %arg1 : i32
      %broadcast_in_dim3A = vector.broadcast %add3A_231 : i32 to vector<16xi32>
      %select_n3A = arith.select %ge3A_229, %broadcast_in_dim3A, %get3A_227 : vector<16xi1>, vector<16xi32>
      %mul3A_232 = arith.constant 16 : i32
      %mul3A_233 = arith.muli %scan3A_223, %mul3A_232 : i32
      %swap3A = arith.index_cast %mul3A_233 : i32 to index
      %swap3A_234 = tpu.vector_load %arg6[%swap3A] {strides = array<i32>} : memref<256xi32, #tpu.memory_space<vmem>>, vector<16xi32>,
      %swap3A_235 = vector.shape_cast %swap3A_234 : vector<16xi32> to vector<16xi32>
      %swap3A_236 = vector.shape_cast %select_n3A : vector<16xi32> to vector<16xi32>
      tpu.vector_store %arg6[%swap3A], %swap3A_236 {strides = array<i32>} : memref<256xi32, #tpu.memory_space<vmem>>, vector<16xi32>,
    }
    %scan3A_15 = arith.constant 16 : i32
    %scan3A_16 = arith.constant 0 : i32
    %scan3A_17 = arith.constant 0 : i32
    %scan3A_18 = arith.constant 16 : i32
    %scan3A_19 = arith.addi %scan3A_17, %scan3A_18 : i32
    %scan3A_20 = arith.constant 1 : i32
    scf.for %scan3A_223 = %scan3A_17 to %scan3A_19 step %scan3A_20  : i32 {
      %mul3A_224 = arith.constant 256 : i32
      %mul3A_225 = arith.muli %arg1, %mul3A_224 : i32
      %mul3A_226 = arith.constant 16 : i32
      %mul3A_227 = arith.muli %scan3A_223, %mul3A_226 : i32
      %add3A_228 = arith.addi %mul3A_225, %mul3A_227 : i32
      %iota3A = tpu.iota {dimensions = array<i32: 0>} : vector<16xi32>
      %add3A_229 = vector.broadcast %add3A_228 : i32 to vector<16xi32>
      %add3A_230 = arith.addi %add3A_229, %iota3A : vector<16xi32>
      %shift_right_arithmetic3A = arith.constant 1 : i32
      %shift_right_arithmetic3A_231 = vector.broadcast %shift_right_arithmetic3A : i32 to vector<16xi32>
      %shift_right_arithmetic3A_232 = arith.shrsi %add3A_230, %shift_right_arithmetic3A_231 : vector<16xi32>
      %mul3A_233 = arith.constant 16 : i32
      %mul3A_234 = arith.muli %scan3A_223, %mul3A_233 : i32
      %swap3A = arith.index_cast %mul3A_234 : i32 to index
      %swap3A_235 = tpu.vector_load %arg7[%swap3A] {strides = array<i32>} : memref<256xi32, #tpu.memory_space<vmem>>, vector<16xi32>,
      %swap3A_236 = vector.shape_cast %swap3A_235 : vector<16xi32> to vector<16xi32>
      %swap3A_237 = vector.shape_cast %shift_right_arithmetic3A_232 : vector<16xi32> to vector<16xi32>
      tpu.vector_store %arg7[%swap3A], %swap3A_237 {strides = array<i32>} : memref<256xi32, #tpu.memory_space<vmem>>, vector<16xi32>,
    }
    %scan3A_21 = arith.constant 16 : i32
    "tpu.trace_stop"() : () -> ()
    "tpu.trace_start"() <{level = 10 : i32, message = "sc_phase_scatter"}> : () -> ()
    %barrier3A = arith.constant 0 : index
    tpu.barrier barrier_id(%barrier3A)
    "tpu.region"() ({
      %run_scoped3A = tpu.sem_alloc : memref<!tpu.dma_semaphore, #tpu.memory_space<semaphore_mem>>
      %dma_start3A_223 = arith.constant 0 : i32
      %dma_start3A_224 = tpu.memref_slice %arg8[%dma_start3A_223] : memref<5152xi32, #tpu.memory_space<vmem_shared>> -> memref<5152xi32, #tpu.memory_space<vmem_shared>>
      tpu.enqueue_indirect_dma source(%arg7 : memref<256xi32, #tpu.memory_space<vmem>>) target(%dma_start3A_224 : memref<5152xi32, #tpu.memory_space<vmem_shared>>) offsets(%arg6 : memref<256xi32, #tpu.memory_space<vmem>>) semaphore(%run_scoped3A : memref<!tpu.dma_semaphore, #tpu.memory_space<semaphore_mem>>)
      %dma_wait3A_225 = arith.constant 0 : i32
      %dma_wait3A_226 = tpu.memref_slice %arg8[%dma_wait3A_225] : memref<5152xi32, #tpu.memory_space<vmem_shared>> -> memref<5152xi32, #tpu.memory_space<vmem_shared>>
      tpu.wait_indirect_dma semaphore(%run_scoped3A : memref<!tpu.dma_semaphore, #tpu.memory_space<semaphore_mem>>) src(%arg7 : memref<256xi32, #tpu.memory_space<vmem>>) dst(%dma_wait3A_226 : memref<5152xi32, #tpu.memory_space<vmem_shared>>)
      tpu.yield
    }) : () -> ()
    %barrier3A_22 = arith.constant 0 : index
    tpu.barrier barrier_id(%barrier3A_22)
    "tpu.trace_stop"() : () -> ()
    %mul3A_23 = arith.constant 160 : i32
    %mul3A_24 = arith.muli %add3A, %mul3A_23 : i32
    "tpu.region"() ({
      %run_scoped3A = tpu.sem_alloc : memref<!tpu.dma_semaphore, #tpu.memory_space<semaphore_mem>>
      %dma_start3A_223 = tpu.memref_slice %arg8[%mul3A_24] : memref<5152xi32, #tpu.memory_space<vmem_shared>> -> memref<160xi32, #tpu.memory_space<vmem_shared>>
      %dma_start3A_224 = tpu.memref_slice %arg8[%mul3A_24] : memref<5152xi32, #tpu.memory_space<vmem_shared>> -> memref<160xi32, #tpu.memory_space<vmem_shared>>
      tpu.enqueue_dma source(%dma_start3A_224 : memref<160xi32, #tpu.memory_space<vmem_shared>>) target(%arg9 : memref<160xi32, #tpu.memory_space<vmem>>) target_semaphore(%run_scoped3A : memref<!tpu.dma_semaphore, #tpu.memory_space<semaphore_mem>>)
      %dma_wait3A_225 = tpu.memref_slice %arg8[%mul3A_24] : memref<5152xi32, #tpu.memory_space<vmem_shared>> -> memref<160xi32, #tpu.memory_space<vmem_shared>>
      %dma_wait3A_226 = tpu.memref_slice %arg8[%mul3A_24] : memref<5152xi32, #tpu.memory_space<vmem_shared>> -> memref<160xi32, #tpu.memory_space<vmem_shared>>
      tpu.wait_dma2 semaphore(%run_scoped3A : memref<!tpu.dma_semaphore, #tpu.memory_space<semaphore_mem>>) src(%dma_wait3A_226 : memref<160xi32, #tpu.memory_space<vmem_shared>>) dst(%arg9 : memref<160xi32, #tpu.memory_space<vmem>>)
      tpu.yield
    }) : () -> ()
    "tpu.trace_start"() <{level = 10 : i32, message = "sc_phase_gather"}> : () -> ()
    %dma_start3A = arith.constant 0 : i32
    %dma_start3A_25 = tpu.memref_slice %arg9[%dma_start3A] : memref<160xi32, #tpu.memory_space<vmem>> -> memref<16xi32, #tpu.memory_space<vmem>>
    %dma_start3A_26 = arith.constant 0 : i32
    %dma_start3A_27 = arith.constant 0 : i32
    %dma_start3A_28 = tpu.memref_slice %arg3[%dma_start3A_26, %dma_start3A_27] : memref<2304x1024xf32, #tpu.memory_space<hbm>> -> memref<2304x1024xf32, #tpu.memory_space<hbm>>
    tpu.enqueue_indirect_dma source(%dma_start3A_28 : memref<2304x1024xf32, #tpu.memory_space<hbm>>) target(%arg10 : memref<16x1024xf32, #tpu.memory_space<vmem>>) offsets(%dma_start3A_25 : memref<16xi32, #tpu.memory_space<vmem>>) semaphore(%arg14 : memref<!tpu.dma_semaphore, #tpu.memory_space<semaphore_mem>>)
    %dma_start3A_29 = arith.constant 16 : i32
    %dma_start3A_30 = tpu.memref_slice %arg9[%dma_start3A_29] : memref<160xi32, #tpu.memory_space<vmem>> -> memref<16xi32, #tpu.memory_space<vmem>>
    %dma_start3A_31 = arith.constant 0 : i32
    %dma_start3A_32 = arith.constant 0 : i32
    %dma_start3A_33 = tpu.memref_slice %arg3[%dma_start3A_31, %dma_start3A_32] : memref<2304x1024xf32, #tpu.memory_space<hbm>> -> memref<2304x1024xf32, #tpu.memory_space<hbm>>
    tpu.enqueue_indirect_dma source(%dma_start3A_33 : memref<2304x1024xf32, #tpu.memory_space<hbm>>) target(%arg11 : memref<16x1024xf32, #tpu.memory_space<vmem>>) offsets(%dma_start3A_30 : memref<16xi32, #tpu.memory_space<vmem>>) semaphore(%arg15 : memref<!tpu.dma_semaphore, #tpu.memory_space<semaphore_mem>>)
    %dma_start3A_34 = arith.constant 32 : i32
    %dma_start3A_35 = tpu.memref_slice %arg9[%dma_start3A_34] : memref<160xi32, #tpu.memory_space<vmem>> -> memref<16xi32, #tpu.memory_space<vmem>>
    %dma_start3A_36 = arith.constant 0 : i32
    %dma_start3A_37 = arith.constant 0 : i32
    %dma_start3A_38 = tpu.memref_slice %arg3[%dma_start3A_36, %dma_start3A_37] : memref<2304x1024xf32, #tpu.memory_space<hbm>> -> memref<2304x1024xf32, #tpu.memory_space<hbm>>
    tpu.enqueue_indirect_dma source(%dma_start3A_38 : memref<2304x1024xf32, #tpu.memory_space<hbm>>) target(%arg12 : memref<16x1024xf32, #tpu.memory_space<vmem>>) offsets(%dma_start3A_35 : memref<16xi32, #tpu.memory_space<vmem>>) semaphore(%arg16 : memref<!tpu.dma_semaphore, #tpu.memory_space<semaphore_mem>>)
    %dma_start3A_39 = arith.constant 48 : i32
    %dma_start3A_40 = tpu.memref_slice %arg9[%dma_start3A_39] : memref<160xi32, #tpu.memory_space<vmem>> -> memref<16xi32, #tpu.memory_space<vmem>>
    %dma_start3A_41 = arith.constant 0 : i32
    %dma_start3A_42 = arith.constant 0 : i32
    %dma_start3A_43 = tpu.memref_slice %arg3[%dma_start3A_41, %dma_start3A_42] : memref<2304x1024xf32, #tpu.memory_space<hbm>> -> memref<2304x1024xf32, #tpu.memory_space<hbm>>
    tpu.enqueue_indirect_dma source(%dma_start3A_43 : memref<2304x1024xf32, #tpu.memory_space<hbm>>) target(%arg13 : memref<16x1024xf32, #tpu.memory_space<vmem>>) offsets(%dma_start3A_40 : memref<16xi32, #tpu.memory_space<vmem>>) semaphore(%arg17 : memref<!tpu.dma_semaphore, #tpu.memory_space<semaphore_mem>>)
    %dma_wait3A = arith.constant 0 : i32
    %dma_wait3A_44 = tpu.memref_slice %arg9[%dma_wait3A] : memref<160xi32, #tpu.memory_space<vmem>> -> memref<16xi32, #tpu.memory_space<vmem>>
    %dma_wait3A_45 = arith.constant 0 : i32
    %dma_wait3A_46 = arith.constant 0 : i32
    %dma_wait3A_47 = tpu.memref_slice %arg3[%dma_wait3A_45, %dma_wait3A_46] : memref<2304x1024xf32, #tpu.memory_space<hbm>> -> memref<2304x1024xf32, #tpu.memory_space<hbm>>
    tpu.wait_indirect_dma semaphore(%arg14 : memref<!tpu.dma_semaphore, #tpu.memory_space<semaphore_mem>>) src(%dma_wait3A_47 : memref<2304x1024xf32, #tpu.memory_space<hbm>>) dst(%arg10 : memref<16x1024xf32, #tpu.memory_space<vmem>>)
    %add3A_48 = arith.constant 0 : i32
    %add3A_49 = arith.addi %mul3A_24, %add3A_48 : i32
    %dma_start3A_50 = arith.constant 0 : i32
    %dma_start3A_51 = tpu.memref_slice %arg4[%add3A_49, %dma_start3A_50] : memref<5120x1024xf32, #tpu.memory_space<hbm>> -> memref<16x1024xf32, #tpu.memory_space<hbm>>
    %dma_start3A_52 = arith.constant 0 : i32
    %dma_start3A_53 = tpu.memref_slice %arg4[%add3A_49, %dma_start3A_52] : memref<5120x1024xf32, #tpu.memory_space<hbm>> -> memref<16x1024xf32, #tpu.memory_space<hbm>>
    tpu.enqueue_dma source(%arg10 : memref<16x1024xf32, #tpu.memory_space<vmem>>) target(%dma_start3A_53 : memref<16x1024xf32, #tpu.memory_space<hbm>>) target_semaphore(%arg18 : memref<!tpu.dma_semaphore, #tpu.memory_space<semaphore_mem>>)
    %dma_wait3A_54 = arith.constant 0 : i32
    %dma_wait3A_55 = tpu.memref_slice %arg4[%add3A_49, %dma_wait3A_54] : memref<5120x1024xf32, #tpu.memory_space<hbm>> -> memref<16x1024xf32, #tpu.memory_space<hbm>>
    %dma_wait3A_56 = arith.constant 0 : i32
    %dma_wait3A_57 = tpu.memref_slice %arg4[%add3A_49, %dma_wait3A_56] : memref<5120x1024xf32, #tpu.memory_space<hbm>> -> memref<16x1024xf32, #tpu.memory_space<hbm>>
    tpu.wait_dma2 semaphore(%arg18 : memref<!tpu.dma_semaphore, #tpu.memory_space<semaphore_mem>>) src(%arg10 : memref<16x1024xf32, #tpu.memory_space<vmem>>) dst(%dma_wait3A_57 : memref<16x1024xf32, #tpu.memory_space<hbm>>)
    %dma_start3A_58 = arith.constant 64 : i32
    %dma_start3A_59 = tpu.memref_slice %arg9[%dma_start3A_58] : memref<160xi32, #tpu.memory_space<vmem>> -> memref<16xi32, #tpu.memory_space<vmem>>
    %dma_start3A_60 = arith.constant 0 : i32
    %dma_start3A_61 = arith.constant 0 : i32
    %dma_start3A_62 = tpu.memref_slice %arg3[%dma_start3A_60, %dma_start3A_61] : memref<2304x1024xf32, #tpu.memory_space<hbm>> -> memref<2304x1024xf32, #tpu.memory_space<hbm>>
    tpu.enqueue_indirect_dma source(%dma_start3A_62 : memref<2304x1024xf32, #tpu.memory_space<hbm>>) target(%arg10 : memref<16x1024xf32, #tpu.memory_space<vmem>>) offsets(%dma_start3A_59 : memref<16xi32, #tpu.memory_space<vmem>>) semaphore(%arg14 : memref<!tpu.dma_semaphore, #tpu.memory_space<semaphore_mem>>)
    %dma_wait3A_63 = arith.constant 16 : i32
    %dma_wait3A_64 = tpu.memref_slice %arg9[%dma_wait3A_63] : memref<160xi32, #tpu.memory_space<vmem>> -> memref<16xi32, #tpu.memory_space<vmem>>
    %dma_wait3A_65 = arith.constant 0 : i32
    %dma_wait3A_66 = arith.constant 0 : i32
    %dma_wait3A_67 = tpu.memref_slice %arg3[%dma_wait3A_65, %dma_wait3A_66] : memref<2304x1024xf32, #tpu.memory_space<hbm>> -> memref<2304x1024xf32, #tpu.memory_space<hbm>>
    tpu.wait_indirect_dma semaphore(%arg15 : memref<!tpu.dma_semaphore, #tpu.memory_space<semaphore_mem>>) src(%dma_wait3A_67 : memref<2304x1024xf32, #tpu.memory_space<hbm>>) dst(%arg11 : memref<16x1024xf32, #tpu.memory_space<vmem>>)
    %add3A_68 = arith.constant 16 : i32
    %add3A_69 = arith.addi %mul3A_24, %add3A_68 : i32
    %dma_start3A_70 = arith.constant 0 : i32
    %dma_start3A_71 = tpu.memref_slice %arg4[%add3A_69, %dma_start3A_70] : memref<5120x1024xf32, #tpu.memory_space<hbm>> -> memref<16x1024xf32, #tpu.memory_space<hbm>>
    %dma_start3A_72 = arith.constant 0 : i32
    %dma_start3A_73 = tpu.memref_slice %arg4[%add3A_69, %dma_start3A_72] : memref<5120x1024xf32, #tpu.memory_space<hbm>> -> memref<16x1024xf32, #tpu.memory_space<hbm>>
    tpu.enqueue_dma source(%arg11 : memref<16x1024xf32, #tpu.memory_space<vmem>>) target(%dma_start3A_73 : memref<16x1024xf32, #tpu.memory_space<hbm>>) target_semaphore(%arg19 : memref<!tpu.dma_semaphore, #tpu.memory_space<semaphore_mem>>)
    %dma_wait3A_74 = arith.constant 0 : i32
    %dma_wait3A_75 = tpu.memref_slice %arg4[%add3A_69, %dma_wait3A_74] : memref<5120x1024xf32, #tpu.memory_space<hbm>> -> memref<16x1024xf32, #tpu.memory_space<hbm>>
    %dma_wait3A_76 = arith.constant 0 : i32
    %dma_wait3A_77 = tpu.memref_slice %arg4[%add3A_69, %dma_wait3A_76] : memref<5120x1024xf32, #tpu.memory_space<hbm>> -> memref<16x1024xf32, #tpu.memory_space<hbm>>
    tpu.wait_dma2 semaphore(%arg19 : memref<!tpu.dma_semaphore, #tpu.memory_space<semaphore_mem>>) src(%arg11 : memref<16x1024xf32, #tpu.memory_space<vmem>>) dst(%dma_wait3A_77 : memref<16x1024xf32, #tpu.memory_space<hbm>>)
    %dma_start3A_78 = arith.constant 80 : i32
    %dma_start3A_79 = tpu.memref_slice %arg9[%dma_start3A_78] : memref<160xi32, #tpu.memory_space<vmem>> -> memref<16xi32, #tpu.memory_space<vmem>>
    %dma_start3A_80 = arith.constant 0 : i32
    %dma_start3A_81 = arith.constant 0 : i32
    %dma_start3A_82 = tpu.memref_slice %arg3[%dma_start3A_80, %dma_start3A_81] : memref<2304x1024xf32, #tpu.memory_space<hbm>> -> memref<2304x1024xf32, #tpu.memory_space<hbm>>
    tpu.enqueue_indirect_dma source(%dma_start3A_82 : memref<2304x1024xf32, #tpu.memory_space<hbm>>) target(%arg11 : memref<16x1024xf32, #tpu.memory_space<vmem>>) offsets(%dma_start3A_79 : memref<16xi32, #tpu.memory_space<vmem>>) semaphore(%arg15 : memref<!tpu.dma_semaphore, #tpu.memory_space<semaphore_mem>>)
    %dma_wait3A_83 = arith.constant 32 : i32
    %dma_wait3A_84 = tpu.memref_slice %arg9[%dma_wait3A_83] : memref<160xi32, #tpu.memory_space<vmem>> -> memref<16xi32, #tpu.memory_space<vmem>>
    %dma_wait3A_85 = arith.constant 0 : i32
    %dma_wait3A_86 = arith.constant 0 : i32
    %dma_wait3A_87 = tpu.memref_slice %arg3[%dma_wait3A_85, %dma_wait3A_86] : memref<2304x1024xf32, #tpu.memory_space<hbm>> -> memref<2304x1024xf32, #tpu.memory_space<hbm>>
    tpu.wait_indirect_dma semaphore(%arg16 : memref<!tpu.dma_semaphore, #tpu.memory_space<semaphore_mem>>) src(%dma_wait3A_87 : memref<2304x1024xf32, #tpu.memory_space<hbm>>) dst(%arg12 : memref<16x1024xf32, #tpu.memory_space<vmem>>)
    %add3A_88 = arith.constant 32 : i32
    %add3A_89 = arith.addi %mul3A_24, %add3A_88 : i32
    %dma_start3A_90 = arith.constant 0 : i32
    %dma_start3A_91 = tpu.memref_slice %arg4[%add3A_89, %dma_start3A_90] : memref<5120x1024xf32, #tpu.memory_space<hbm>> -> memref<16x1024xf32, #tpu.memory_space<hbm>>
    %dma_start3A_92 = arith.constant 0 : i32
    %dma_start3A_93 = tpu.memref_slice %arg4[%add3A_89, %dma_start3A_92] : memref<5120x1024xf32, #tpu.memory_space<hbm>> -> memref<16x1024xf32, #tpu.memory_space<hbm>>
    tpu.enqueue_dma source(%arg12 : memref<16x1024xf32, #tpu.memory_space<vmem>>) target(%dma_start3A_93 : memref<16x1024xf32, #tpu.memory_space<hbm>>) target_semaphore(%arg20 : memref<!tpu.dma_semaphore, #tpu.memory_space<semaphore_mem>>)
    %dma_wait3A_94 = arith.constant 0 : i32
    %dma_wait3A_95 = tpu.memref_slice %arg4[%add3A_89, %dma_wait3A_94] : memref<5120x1024xf32, #tpu.memory_space<hbm>> -> memref<16x1024xf32, #tpu.memory_space<hbm>>
    %dma_wait3A_96 = arith.constant 0 : i32
    %dma_wait3A_97 = tpu.memref_slice %arg4[%add3A_89, %dma_wait3A_96] : memref<5120x1024xf32, #tpu.memory_space<hbm>> -> memref<16x1024xf32, #tpu.memory_space<hbm>>
    tpu.wait_dma2 semaphore(%arg20 : memref<!tpu.dma_semaphore, #tpu.memory_space<semaphore_mem>>) src(%arg12 : memref<16x1024xf32, #tpu.memory_space<vmem>>) dst(%dma_wait3A_97 : memref<16x1024xf32, #tpu.memory_space<hbm>>)
    %dma_start3A_98 = arith.constant 96 : i32
    %dma_start3A_99 = tpu.memref_slice %arg9[%dma_start3A_98] : memref<160xi32, #tpu.memory_space<vmem>> -> memref<16xi32, #tpu.memory_space<vmem>>
    %dma_start3A_100 = arith.constant 0 : i32
    %dma_start3A_101 = arith.constant 0 : i32
    %dma_start3A_102 = tpu.memref_slice %arg3[%dma_start3A_100, %dma_start3A_101] : memref<2304x1024xf32, #tpu.memory_space<hbm>> -> memref<2304x1024xf32, #tpu.memory_space<hbm>>
    tpu.enqueue_indirect_dma source(%dma_start3A_102 : memref<2304x1024xf32, #tpu.memory_space<hbm>>) target(%arg12 : memref<16x1024xf32, #tpu.memory_space<vmem>>) offsets(%dma_start3A_99 : memref<16xi32, #tpu.memory_space<vmem>>) semaphore(%arg16 : memref<!tpu.dma_semaphore, #tpu.memory_space<semaphore_mem>>)
    %dma_wait3A_103 = arith.constant 48 : i32
    %dma_wait3A_104 = tpu.memref_slice %arg9[%dma_wait3A_103] : memref<160xi32, #tpu.memory_space<vmem>> -> memref<16xi32, #tpu.memory_space<vmem>>
    %dma_wait3A_105 = arith.constant 0 : i32
    %dma_wait3A_106 = arith.constant 0 : i32
    %dma_wait3A_107 = tpu.memref_slice %arg3[%dma_wait3A_105, %dma_wait3A_106] : memref<2304x1024xf32, #tpu.memory_space<hbm>> -> memref<2304x1024xf32, #tpu.memory_space<hbm>>
    tpu.wait_indirect_dma semaphore(%arg17 : memref<!tpu.dma_semaphore, #tpu.memory_space<semaphore_mem>>) src(%dma_wait3A_107 : memref<2304x1024xf32, #tpu.memory_space<hbm>>) dst(%arg13 : memref<16x1024xf32, #tpu.memory_space<vmem>>)
    %add3A_108 = arith.constant 48 : i32
    %add3A_109 = arith.addi %mul3A_24, %add3A_108 : i32
    %dma_start3A_110 = arith.constant 0 : i32
    %dma_start3A_111 = tpu.memref_slice %arg4[%add3A_109, %dma_start3A_110] : memref<5120x1024xf32, #tpu.memory_space<hbm>> -> memref<16x1024xf32, #tpu.memory_space<hbm>>
    %dma_start3A_112 = arith.constant 0 : i32
    %dma_start3A_113 = tpu.memref_slice %arg4[%add3A_109, %dma_start3A_112] : memref<5120x1024xf32, #tpu.memory_space<hbm>> -> memref<16x1024xf32, #tpu.memory_space<hbm>>
    tpu.enqueue_dma source(%arg13 : memref<16x1024xf32, #tpu.memory_space<vmem>>) target(%dma_start3A_113 : memref<16x1024xf32, #tpu.memory_space<hbm>>) target_semaphore(%arg21 : memref<!tpu.dma_semaphore, #tpu.memory_space<semaphore_mem>>)
    %dma_wait3A_114 = arith.constant 0 : i32
    %dma_wait3A_115 = tpu.memref_slice %arg4[%add3A_109, %dma_wait3A_114] : memref<5120x1024xf32, #tpu.memory_space<hbm>> -> memref<16x1024xf32, #tpu.memory_space<hbm>>
    %dma_wait3A_116 = arith.constant 0 : i32
    %dma_wait3A_117 = tpu.memref_slice %arg4[%add3A_109, %dma_wait3A_116] : memref<5120x1024xf32, #tpu.memory_space<hbm>> -> memref<16x1024xf32, #tpu.memory_space<hbm>>
    tpu.wait_dma2 semaphore(%arg21 : memref<!tpu.dma_semaphore, #tpu.memory_space<semaphore_mem>>) src(%arg13 : memref<16x1024xf32, #tpu.memory_space<vmem>>) dst(%dma_wait3A_117 : memref<16x1024xf32, #tpu.memory_space<hbm>>)
    %dma_start3A_118 = arith.constant 112 : i32
    %dma_start3A_119 = tpu.memref_slice %arg9[%dma_start3A_118] : memref<160xi32, #tpu.memory_space<vmem>> -> memref<16xi32, #tpu.memory_space<vmem>>
    %dma_start3A_120 = arith.constant 0 : i32
    %dma_start3A_121 = arith.constant 0 : i32
    %dma_start3A_122 = tpu.memref_slice %arg3[%dma_start3A_120, %dma_start3A_121] : memref<2304x1024xf32, #tpu.memory_space<hbm>> -> memref<2304x1024xf32, #tpu.memory_space<hbm>>
    tpu.enqueue_indirect_dma source(%dma_start3A_122 : memref<2304x1024xf32, #tpu.memory_space<hbm>>) target(%arg13 : memref<16x1024xf32, #tpu.memory_space<vmem>>) offsets(%dma_start3A_119 : memref<16xi32, #tpu.memory_space<vmem>>) semaphore(%arg17 : memref<!tpu.dma_semaphore, #tpu.memory_space<semaphore_mem>>)
    %dma_wait3A_123 = arith.constant 64 : i32
    %dma_wait3A_124 = tpu.memref_slice %arg9[%dma_wait3A_123] : memref<160xi32, #tpu.memory_space<vmem>> -> memref<16xi32, #tpu.memory_space<vmem>>
    %dma_wait3A_125 = arith.constant 0 : i32
    %dma_wait3A_126 = arith.constant 0 : i32
    %dma_wait3A_127 = tpu.memref_slice %arg3[%dma_wait3A_125, %dma_wait3A_126] : memref<2304x1024xf32, #tpu.memory_space<hbm>> -> memref<2304x1024xf32, #tpu.memory_space<hbm>>
    tpu.wait_indirect_dma semaphore(%arg14 : memref<!tpu.dma_semaphore, #tpu.memory_space<semaphore_mem>>) src(%dma_wait3A_127 : memref<2304x1024xf32, #tpu.memory_space<hbm>>) dst(%arg10 : memref<16x1024xf32, #tpu.memory_space<vmem>>)
    %add3A_128 = arith.constant 64 : i32
    %add3A_129 = arith.addi %mul3A_24, %add3A_128 : i32
    %dma_start3A_130 = arith.constant 0 : i32
    %dma_start3A_131 = tpu.memref_slice %arg4[%add3A_129, %dma_start3A_130] : memref<5120x1024xf32, #tpu.memory_space<hbm>> -> memref<16x1024xf32, #tpu.memory_space<hbm>>
    %dma_start3A_132 = arith.constant 0 : i32
    %dma_start3A_133 = tpu.memref_slice %arg4[%add3A_129, %dma_start3A_132] : memref<5120x1024xf32, #tpu.memory_space<hbm>> -> memref<16x1024xf32, #tpu.memory_space<hbm>>
    tpu.enqueue_dma source(%arg10 : memref<16x1024xf32, #tpu.memory_space<vmem>>) target(%dma_start3A_133 : memref<16x1024xf32, #tpu.memory_space<hbm>>) target_semaphore(%arg18 : memref<!tpu.dma_semaphore, #tpu.memory_space<semaphore_mem>>)
    %dma_wait3A_134 = arith.constant 0 : i32
    %dma_wait3A_135 = tpu.memref_slice %arg4[%add3A_129, %dma_wait3A_134] : memref<5120x1024xf32, #tpu.memory_space<hbm>> -> memref<16x1024xf32, #tpu.memory_space<hbm>>
    %dma_wait3A_136 = arith.constant 0 : i32
    %dma_wait3A_137 = tpu.memref_slice %arg4[%add3A_129, %dma_wait3A_136] : memref<5120x1024xf32, #tpu.memory_space<hbm>> -> memref<16x1024xf32, #tpu.memory_space<hbm>>
    tpu.wait_dma2 semaphore(%arg18 : memref<!tpu.dma_semaphore, #tpu.memory_space<semaphore_mem>>) src(%arg10 : memref<16x1024xf32, #tpu.memory_space<vmem>>) dst(%dma_wait3A_137 : memref<16x1024xf32, #tpu.memory_space<hbm>>)
    %dma_start3A_138 = arith.constant 128 : i32
    %dma_start3A_139 = tpu.memref_slice %arg9[%dma_start3A_138] : memref<160xi32, #tpu.memory_space<vmem>> -> memref<16xi32, #tpu.memory_space<vmem>>
    %dma_start3A_140 = arith.constant 0 : i32
    %dma_start3A_141 = arith.constant 0 : i32
    %dma_start3A_142 = tpu.memref_slice %arg3[%dma_start3A_140, %dma_start3A_141] : memref<2304x1024xf32, #tpu.memory_space<hbm>> -> memref<2304x1024xf32, #tpu.memory_space<hbm>>
    tpu.enqueue_indirect_dma source(%dma_start3A_142 : memref<2304x1024xf32, #tpu.memory_space<hbm>>) target(%arg10 : memref<16x1024xf32, #tpu.memory_space<vmem>>) offsets(%dma_start3A_139 : memref<16xi32, #tpu.memory_space<vmem>>) semaphore(%arg14 : memref<!tpu.dma_semaphore, #tpu.memory_space<semaphore_mem>>)
    %dma_wait3A_143 = arith.constant 80 : i32
    %dma_wait3A_144 = tpu.memref_slice %arg9[%dma_wait3A_143] : memref<160xi32, #tpu.memory_space<vmem>> -> memref<16xi32, #tpu.memory_space<vmem>>
    %dma_wait3A_145 = arith.constant 0 : i32
    %dma_wait3A_146 = arith.constant 0 : i32
    %dma_wait3A_147 = tpu.memref_slice %arg3[%dma_wait3A_145, %dma_wait3A_146] : memref<2304x1024xf32, #tpu.memory_space<hbm>> -> memref<2304x1024xf32, #tpu.memory_space<hbm>>
    tpu.wait_indirect_dma semaphore(%arg15 : memref<!tpu.dma_semaphore, #tpu.memory_space<semaphore_mem>>) src(%dma_wait3A_147 : memref<2304x1024xf32, #tpu.memory_space<hbm>>) dst(%arg11 : memref<16x1024xf32, #tpu.memory_space<vmem>>)
    %add3A_148 = arith.constant 80 : i32
    %add3A_149 = arith.addi %mul3A_24, %add3A_148 : i32
    %dma_start3A_150 = arith.constant 0 : i32
    %dma_start3A_151 = tpu.memref_slice %arg4[%add3A_149, %dma_start3A_150] : memref<5120x1024xf32, #tpu.memory_space<hbm>> -> memref<16x1024xf32, #tpu.memory_space<hbm>>
    %dma_start3A_152 = arith.constant 0 : i32
    %dma_start3A_153 = tpu.memref_slice %arg4[%add3A_149, %dma_start3A_152] : memref<5120x1024xf32, #tpu.memory_space<hbm>> -> memref<16x1024xf32, #tpu.memory_space<hbm>>
    tpu.enqueue_dma source(%arg11 : memref<16x1024xf32, #tpu.memory_space<vmem>>) target(%dma_start3A_153 : memref<16x1024xf32, #tpu.memory_space<hbm>>) target_semaphore(%arg19 : memref<!tpu.dma_semaphore, #tpu.memory_space<semaphore_mem>>)
    %dma_wait3A_154 = arith.constant 0 : i32
    %dma_wait3A_155 = tpu.memref_slice %arg4[%add3A_149, %dma_wait3A_154] : memref<5120x1024xf32, #tpu.memory_space<hbm>> -> memref<16x1024xf32, #tpu.memory_space<hbm>>
    %dma_wait3A_156 = arith.constant 0 : i32
    %dma_wait3A_157 = tpu.memref_slice %arg4[%add3A_149, %dma_wait3A_156] : memref<5120x1024xf32, #tpu.memory_space<hbm>> -> memref<16x1024xf32, #tpu.memory_space<hbm>>
    tpu.wait_dma2 semaphore(%arg19 : memref<!tpu.dma_semaphore, #tpu.memory_space<semaphore_mem>>) src(%arg11 : memref<16x1024xf32, #tpu.memory_space<vmem>>) dst(%dma_wait3A_157 : memref<16x1024xf32, #tpu.memory_space<hbm>>)
    %dma_start3A_158 = arith.constant 144 : i32
    %dma_start3A_159 = tpu.memref_slice %arg9[%dma_start3A_158] : memref<160xi32, #tpu.memory_space<vmem>> -> memref<16xi32, #tpu.memory_space<vmem>>
    %dma_start3A_160 = arith.constant 0 : i32
    %dma_start3A_161 = arith.constant 0 : i32
    %dma_start3A_162 = tpu.memref_slice %arg3[%dma_start3A_160, %dma_start3A_161] : memref<2304x1024xf32, #tpu.memory_space<hbm>> -> memref<2304x1024xf32, #tpu.memory_space<hbm>>
    tpu.enqueue_indirect_dma source(%dma_start3A_162 : memref<2304x1024xf32, #tpu.memory_space<hbm>>) target(%arg11 : memref<16x1024xf32, #tpu.memory_space<vmem>>) offsets(%dma_start3A_159 : memref<16xi32, #tpu.memory_space<vmem>>) semaphore(%arg15 : memref<!tpu.dma_semaphore, #tpu.memory_space<semaphore_mem>>)
    %dma_wait3A_163 = arith.constant 96 : i32
    %dma_wait3A_164 = tpu.memref_slice %arg9[%dma_wait3A_163] : memref<160xi32, #tpu.memory_space<vmem>> -> memref<16xi32, #tpu.memory_space<vmem>>
    %dma_wait3A_165 = arith.constant 0 : i32
    %dma_wait3A_166 = arith.constant 0 : i32
    %dma_wait3A_167 = tpu.memref_slice %arg3[%dma_wait3A_165, %dma_wait3A_166] : memref<2304x1024xf32, #tpu.memory_space<hbm>> -> memref<2304x1024xf32, #tpu.memory_space<hbm>>
    tpu.wait_indirect_dma semaphore(%arg16 : memref<!tpu.dma_semaphore, #tpu.memory_space<semaphore_mem>>) src(%dma_wait3A_167 : memref<2304x1024xf32, #tpu.memory_space<hbm>>) dst(%arg12 : memref<16x1024xf32, #tpu.memory_space<vmem>>)
    %add3A_168 = arith.constant 96 : i32
    %add3A_169 = arith.addi %mul3A_24, %add3A_168 : i32
    %dma_start3A_170 = arith.constant 0 : i32
    %dma_start3A_171 = tpu.memref_slice %arg4[%add3A_169, %dma_start3A_170] : memref<5120x1024xf32, #tpu.memory_space<hbm>> -> memref<16x1024xf32, #tpu.memory_space<hbm>>
    %dma_start3A_172 = arith.constant 0 : i32
    %dma_start3A_173 = tpu.memref_slice %arg4[%add3A_169, %dma_start3A_172] : memref<5120x1024xf32, #tpu.memory_space<hbm>> -> memref<16x1024xf32, #tpu.memory_space<hbm>>
    tpu.enqueue_dma source(%arg12 : memref<16x1024xf32, #tpu.memory_space<vmem>>) target(%dma_start3A_173 : memref<16x1024xf32, #tpu.memory_space<hbm>>) target_semaphore(%arg20 : memref<!tpu.dma_semaphore, #tpu.memory_space<semaphore_mem>>)
    %dma_wait3A_174 = arith.constant 112 : i32
    %dma_wait3A_175 = tpu.memref_slice %arg9[%dma_wait3A_174] : memref<160xi32, #tpu.memory_space<vmem>> -> memref<16xi32, #tpu.memory_space<vmem>>
    %dma_wait3A_176 = arith.constant 0 : i32
    %dma_wait3A_177 = arith.constant 0 : i32
    %dma_wait3A_178 = tpu.memref_slice %arg3[%dma_wait3A_176, %dma_wait3A_177] : memref<2304x1024xf32, #tpu.memory_space<hbm>> -> memref<2304x1024xf32, #tpu.memory_space<hbm>>
    tpu.wait_indirect_dma semaphore(%arg17 : memref<!tpu.dma_semaphore, #tpu.memory_space<semaphore_mem>>) src(%dma_wait3A_178 : memref<2304x1024xf32, #tpu.memory_space<hbm>>) dst(%arg13 : memref<16x1024xf32, #tpu.memory_space<vmem>>)
    %add3A_179 = arith.constant 112 : i32
    %add3A_180 = arith.addi %mul3A_24, %add3A_179 : i32
    %dma_start3A_181 = arith.constant 0 : i32
    %dma_start3A_182 = tpu.memref_slice %arg4[%add3A_180, %dma_start3A_181] : memref<5120x1024xf32, #tpu.memory_space<hbm>> -> memref<16x1024xf32, #tpu.memory_space<hbm>>
    %dma_start3A_183 = arith.constant 0 : i32
    %dma_start3A_184 = tpu.memref_slice %arg4[%add3A_180, %dma_start3A_183] : memref<5120x1024xf32, #tpu.memory_space<hbm>> -> memref<16x1024xf32, #tpu.memory_space<hbm>>
    tpu.enqueue_dma source(%arg13 : memref<16x1024xf32, #tpu.memory_space<vmem>>) target(%dma_start3A_184 : memref<16x1024xf32, #tpu.memory_space<hbm>>) target_semaphore(%arg21 : memref<!tpu.dma_semaphore, #tpu.memory_space<semaphore_mem>>)
    %dma_wait3A_185 = arith.constant 128 : i32
    %dma_wait3A_186 = tpu.memref_slice %arg9[%dma_wait3A_185] : memref<160xi32, #tpu.memory_space<vmem>> -> memref<16xi32, #tpu.memory_space<vmem>>
    %dma_wait3A_187 = arith.constant 0 : i32
    %dma_wait3A_188 = arith.constant 0 : i32
    %dma_wait3A_189 = tpu.memref_slice %arg3[%dma_wait3A_187, %dma_wait3A_188] : memref<2304x1024xf32, #tpu.memory_space<hbm>> -> memref<2304x1024xf32, #tpu.memory_space<hbm>>
    tpu.wait_indirect_dma semaphore(%arg14 : memref<!tpu.dma_semaphore, #tpu.memory_space<semaphore_mem>>) src(%dma_wait3A_189 : memref<2304x1024xf32, #tpu.memory_space<hbm>>) dst(%arg10 : memref<16x1024xf32, #tpu.memory_space<vmem>>)
    %add3A_190 = arith.constant 128 : i32
    %add3A_191 = arith.addi %mul3A_24, %add3A_190 : i32
    %dma_start3A_192 = arith.constant 0 : i32
    %dma_start3A_193 = tpu.memref_slice %arg4[%add3A_191, %dma_start3A_192] : memref<5120x1024xf32, #tpu.memory_space<hbm>> -> memref<16x1024xf32, #tpu.memory_space<hbm>>
    %dma_start3A_194 = arith.constant 0 : i32
    %dma_start3A_195 = tpu.memref_slice %arg4[%add3A_191, %dma_start3A_194] : memref<5120x1024xf32, #tpu.memory_space<hbm>> -> memref<16x1024xf32, #tpu.memory_space<hbm>>
    tpu.enqueue_dma source(%arg10 : memref<16x1024xf32, #tpu.memory_space<vmem>>) target(%dma_start3A_195 : memref<16x1024xf32, #tpu.memory_space<hbm>>) target_semaphore(%arg18 : memref<!tpu.dma_semaphore, #tpu.memory_space<semaphore_mem>>)
    %dma_wait3A_196 = arith.constant 144 : i32
    %dma_wait3A_197 = tpu.memref_slice %arg9[%dma_wait3A_196] : memref<160xi32, #tpu.memory_space<vmem>> -> memref<16xi32, #tpu.memory_space<vmem>>
    %dma_wait3A_198 = arith.constant 0 : i32
    %dma_wait3A_199 = arith.constant 0 : i32
    %dma_wait3A_200 = tpu.memref_slice %arg3[%dma_wait3A_198, %dma_wait3A_199] : memref<2304x1024xf32, #tpu.memory_space<hbm>> -> memref<2304x1024xf32, #tpu.memory_space<hbm>>
    tpu.wait_indirect_dma semaphore(%arg15 : memref<!tpu.dma_semaphore, #tpu.memory_space<semaphore_mem>>) src(%dma_wait3A_200 : memref<2304x1024xf32, #tpu.memory_space<hbm>>) dst(%arg11 : memref<16x1024xf32, #tpu.memory_space<vmem>>)
    %add3A_201 = arith.constant 144 : i32
    %add3A_202 = arith.addi %mul3A_24, %add3A_201 : i32
    %dma_start3A_203 = arith.constant 0 : i32
    %dma_start3A_204 = tpu.memref_slice %arg4[%add3A_202, %dma_start3A_203] : memref<5120x1024xf32, #tpu.memory_space<hbm>> -> memref<16x1024xf32, #tpu.memory_space<hbm>>
    %dma_start3A_205 = arith.constant 0 : i32
    %dma_start3A_206 = tpu.memref_slice %arg4[%add3A_202, %dma_start3A_205] : memref<5120x1024xf32, #tpu.memory_space<hbm>> -> memref<16x1024xf32, #tpu.memory_space<hbm>>
    tpu.enqueue_dma source(%arg11 : memref<16x1024xf32, #tpu.memory_space<vmem>>) target(%dma_start3A_206 : memref<16x1024xf32, #tpu.memory_space<hbm>>) target_semaphore(%arg19 : memref<!tpu.dma_semaphore, #tpu.memory_space<semaphore_mem>>)
    %dma_wait3A_207 = arith.constant 0 : i32
    %dma_wait3A_208 = tpu.memref_slice %arg4[%add3A_169, %dma_wait3A_207] : memref<5120x1024xf32, #tpu.memory_space<hbm>> -> memref<16x1024xf32, #tpu.memory_space<hbm>>
    %dma_wait3A_209 = arith.constant 0 : i32
    %dma_wait3A_210 = tpu.memref_slice %arg4[%add3A_169, %dma_wait3A_209] : memref<5120x1024xf32, #tpu.memory_space<hbm>> -> memref<16x1024xf32, #tpu.memory_space<hbm>>
    tpu.wait_dma2 semaphore(%arg20 : memref<!tpu.dma_semaphore, #tpu.memory_space<semaphore_mem>>) src(%arg12 : memref<16x1024xf32, #tpu.memory_space<vmem>>) dst(%dma_wait3A_210 : memref<16x1024xf32, #tpu.memory_space<hbm>>)
    %dma_wait3A_211 = arith.constant 0 : i32
    %dma_wait3A_212 = tpu.memref_slice %arg4[%add3A_180, %dma_wait3A_211] : memref<5120x1024xf32, #tpu.memory_space<hbm>> -> memref<16x1024xf32, #tpu.memory_space<hbm>>
    %dma_wait3A_213 = arith.constant 0 : i32
    %dma_wait3A_214 = tpu.memref_slice %arg4[%add3A_180, %dma_wait3A_213] : memref<5120x1024xf32, #tpu.memory_space<hbm>> -> memref<16x1024xf32, #tpu.memory_space<hbm>>
    tpu.wait_dma2 semaphore(%arg21 : memref<!tpu.dma_semaphore, #tpu.memory_space<semaphore_mem>>) src(%arg13 : memref<16x1024xf32, #tpu.memory_space<vmem>>) dst(%dma_wait3A_214 : memref<16x1024xf32, #tpu.memory_space<hbm>>)
    %dma_wait3A_215 = arith.constant 0 : i32
    %dma_wait3A_216 = tpu.memref_slice %arg4[%add3A_191, %dma_wait3A_215] : memref<5120x1024xf32, #tpu.memory_space<hbm>> -> memref<16x1024xf32, #tpu.memory_space<hbm>>
    %dma_wait3A_217 = arith.constant 0 : i32
    %dma_wait3A_218 = tpu.memref_slice %arg4[%add3A_191, %dma_wait3A_217] : memref<5120x1024xf32, #tpu.memory_space<hbm>> -> memref<16x1024xf32, #tpu.memory_space<hbm>>
    tpu.wait_dma2 semaphore(%arg18 : memref<!tpu.dma_semaphore, #tpu.memory_space<semaphore_mem>>) src(%arg10 : memref<16x1024xf32, #tpu.memory_space<vmem>>) dst(%dma_wait3A_218 : memref<16x1024xf32, #tpu.memory_space<hbm>>)
    %dma_wait3A_219 = arith.constant 0 : i32
    %dma_wait3A_220 = tpu.memref_slice %arg4[%add3A_202, %dma_wait3A_219] : memref<5120x1024xf32, #tpu.memory_space<hbm>> -> memref<16x1024xf32, #tpu.memory_space<hbm>>
    %dma_wait3A_221 = arith.constant 0 : i32
    %dma_wait3A_222 = tpu.memref_slice %arg4[%add3A_202, %dma_wait3A_221] : memref<5120x1024xf32, #tpu.memory_space<hbm>> -> memref<16x1024xf32, #tpu.memory_space<hbm>>
    tpu.wait_dma2 semaphore(%arg19 : memref<!tpu.dma_semaphore, #tpu.memory_space<semaphore_mem>>) src(%arg11 : memref<16x1024xf32, #tpu.memory_space<vmem>>) dst(%dma_wait3A_222 : memref<16x1024xf32, #tpu.memory_space<hbm>>)
    "tpu.trace_stop"() : () -> ()
    return
  }
}

module attributes {stable_mosaic.version = 14 : i64} {
  func.func @_meta_body(%arg0: i32, %arg1: memref<256x1024xf32, #tpu.memory_space<vmem>>, %arg2: memref<1024x128xf32, #tpu.memory_space<vmem>>, %arg3: memref<256x128xf32, #tpu.memory_space<vmem>>, %arg4: memref<256x128xf32, #tpu.memory_space<vmem>>, %arg5: memref<256x128xi32, #tpu.memory_space<vmem>>, %arg6: memref<8x640xf32, #tpu.memory_space<vmem>>, %arg7: memref<256x1024xf32, #tpu.memory_space<vmem>>, %arg8: memref<8x128xf32, #tpu.memory_space<vmem>>) attributes {dimension_semantics = [#tpu.dimension_semantics<arbitrary>], iteration_bounds = array<i64: 9>, scalar_prefetch = 0 : i64, scratch_operands = 1 : i64, tpu.core_type = #tpu.core_type<tc>, window_params = [{transform_indices = @transform_0, window_bounds = array<i64: 256, 1024>}, {pipeline_mode = #tpu.pipeline_mode<synchronous>, transform_indices = @transform_1, window_bounds = array<i64: 1024, 128>}, {transform_indices = @transform_2, window_bounds = array<i64: 256, 128>}, {transform_indices = @transform_3, window_bounds = array<i64: 256, 128>}, {transform_indices = @transform_4, window_bounds = array<i64: 256, 128>}, {pipeline_mode = #tpu.pipeline_mode<synchronous>, transform_indices = @transform_5, window_bounds = array<i64: 8, 640>}, {transform_indices = @transform_6, window_bounds = array<i64: 256, 1024>}]} {
    %eq3A = arith.constant 0 : i32
    %eq3A_0 = arith.cmpi eq, %arg0, %eq3A : i32
    %convert_element_type3A = arith.extui %eq3A_0 : i1 to i32
    %cond3A = arith.constant 0 : i32
    %cond3A_1 = arith.cmpi ne, %convert_element_type3A, %cond3A : i32
    scf.if %cond3A_1 {
      %broadcast_in_dim3A = arith.constant 0.000000e+00 : f32
      %broadcast_in_dim3A_10 = vector.broadcast %broadcast_in_dim3A : f32 to vector<8x128xf32>
      %swap3A = arith.constant 0 : index
      %swap3A_11 = arith.constant 0 : index
      %swap3A_12 = vector.load %arg8[%swap3A, %swap3A_11] : memref<8x128xf32, #tpu.memory_space<vmem>>, vector<8x128xf32>
      tpu.vector_store %arg8[%swap3A, %swap3A_11], %broadcast_in_dim3A_10 {strides = array<i32>} : memref<8x128xf32, #tpu.memory_space<vmem>>, vector<8x128xf32>,
    } else {
    }
    %ge3A = arith.constant 8 : i32
    %ge3A_2 = arith.cmpi sge, %arg0, %ge3A : i32
    %convert_element_type3A_3 = arith.extui %ge3A_2 : i1 to i32
    %cond3A_4 = arith.constant 0 : i32
    %cond3A_5 = arith.cmpi ne, %convert_element_type3A_3, %cond3A_4 : i32
    scf.if %cond3A_5 {
      %broadcast_in_dim3A = arith.constant 0.000000e+00 : f32
      %broadcast_in_dim3A_10 = vector.broadcast %broadcast_in_dim3A : f32 to vector<256x1024xf32>
      %swap3A = arith.constant 0 : index
      %swap3A_11 = arith.constant 0 : index
      %swap3A_12 = vector.load %arg7[%swap3A, %swap3A_11] : memref<256x1024xf32, #tpu.memory_space<vmem>>, vector<256x1024xf32>
      tpu.vector_store %arg7[%swap3A, %swap3A_11], %broadcast_in_dim3A_10 {strides = array<i32>} : memref<256x1024xf32, #tpu.memory_space<vmem>>, vector<256x1024xf32>,
    } else {
    }
    %lt3A = arith.constant 8 : i32
    %lt3A_6 = arith.cmpi slt, %arg0, %lt3A : i32
    %convert_element_type3A_7 = arith.extui %lt3A_6 : i1 to i32
    %cond3A_8 = arith.constant 0 : i32
    %cond3A_9 = arith.cmpi ne, %convert_element_type3A_7, %cond3A_8 : i32
    scf.if %cond3A_9 {
      %get3A = arith.constant 0 : index
      %get3A_10 = arith.constant 0 : index
      %get3A_11 = vector.load %arg1[%get3A, %get3A_10] : memref<256x1024xf32, #tpu.memory_space<vmem>>, vector<256x1024xf32>
      %swap3A = arith.constant 0 : index
      %swap3A_12 = arith.constant 0 : index
      %swap3A_13 = vector.load %arg7[%swap3A, %swap3A_12] : memref<256x1024xf32, #tpu.memory_space<vmem>>, vector<256x1024xf32>
      tpu.vector_store %arg7[%swap3A, %swap3A_12], %get3A_11 {strides = array<i32>} : memref<256x1024xf32, #tpu.memory_space<vmem>>, vector<256x1024xf32>,
      %get3A_14 = arith.constant 0 : index
      %get3A_15 = arith.constant 0 : index
      %get3A_16 = vector.load %arg1[%get3A_14, %get3A_15] : memref<256x1024xf32, #tpu.memory_space<vmem>>, vector<256x1024xf32>
      %get3A_17 = arith.constant 0 : index
      %get3A_18 = arith.constant 0 : index
      %get3A_19 = vector.load %arg2[%get3A_17, %get3A_18] : memref<1024x128xf32, #tpu.memory_space<vmem>>, vector<1024x128xf32>
      %dot_general3A = arith.constant dense<0.000000e+00> : vector<256x128xf32>
      %dot_general3A_20 = tpu.matmul %get3A_16, %get3A_19, %dot_general3A {dimension_numbers = #tpu.dot_dimension_numbers<[1], [0], [0], [1], [0, 0, 1, 1], [], []>, transpose_lhs_hint = false} : vector<256x1024xf32>, vector<1024x128xf32>, vector<256x128xf32> -> vector<256x128xf32>
      %iota3A = tpu.iota {dimensions = array<i32: 1>} : vector<256x128xi32>
      %lt3A_21 = arith.constant 8 : i32
      %lt3A_22 = vector.broadcast %lt3A_21 : i32 to vector<256x128xi32>
      %lt3A_23 = arith.cmpi slt, %iota3A, %lt3A_22 : vector<256x128xi32>
      %jit3A = arith.constant -1.000000e+30 : f32
      %broadcast_in_dim3A = vector.broadcast %jit3A : f32 to vector<256x128xf32>
      %select_n3A = arith.select %lt3A_23, %dot_general3A_20, %broadcast_in_dim3A : vector<256x128xi1>, vector<256x128xf32>
      %reduce_max3A = arith.constant dense<0xFF800000> : vector<256xf32>
      %reduce_max3A_24 = vector.multi_reduction <maximumf>, %select_n3A, %reduce_max3A [1] : vector<256x128xf32> to vector<256xf32>
      %broadcast_in_dim3A_25 = vector.shape_cast %reduce_max3A_24 : vector<256xf32> to vector<256x1xf32>
      %eq3A_26 = vector.broadcast %broadcast_in_dim3A_25 : vector<256x1xf32> to vector<256x128xf32>
      %eq3A_27 = arith.cmpf oeq, %select_n3A, %eq3A_26 : vector<256x128xf32>
      %jit3A_28 = arith.constant 127 : i32
      %broadcast_in_dim3A_29 = vector.broadcast %jit3A_28 : i32 to vector<256x128xi32>
      %select_n3A_30 = arith.select %eq3A_27, %iota3A, %broadcast_in_dim3A_29 : vector<256x128xi1>, vector<256x128xi32>
      %reduce_min3A = arith.constant dense<2147483647> : vector<256xi32>
      %reduce_min3A_31 = vector.multi_reduction <minsi>, %select_n3A_30, %reduce_min3A [1] : vector<256x128xi32> to vector<256xi32>
      %broadcast_in_dim3A_32 = vector.shape_cast %reduce_min3A_31 : vector<256xi32> to vector<256x1xi32>
      %eq3A_33 = vector.broadcast %broadcast_in_dim3A_32 : vector<256x1xi32> to vector<256x128xi32>
      %eq3A_34 = arith.cmpi eq, %iota3A, %eq3A_33 : vector<256x128xi32>
      %jit3A_35 = arith.constant -1.000000e+30 : f32
      %broadcast_in_dim3A_36 = vector.broadcast %jit3A_35 : f32 to vector<256x128xf32>
      %select_n3A_37 = arith.select %eq3A_34, %broadcast_in_dim3A_36, %select_n3A : vector<256x128xi1>, vector<256x128xf32>
      %reduce_max3A_38 = arith.constant dense<0xFF800000> : vector<256xf32>
      %reduce_max3A_39 = vector.multi_reduction <maximumf>, %select_n3A_37, %reduce_max3A_38 [1] : vector<256x128xf32> to vector<256xf32>
      %broadcast_in_dim3A_40 = vector.shape_cast %reduce_max3A_39 : vector<256xf32> to vector<256x1xf32>
      %eq3A_41 = vector.broadcast %broadcast_in_dim3A_40 : vector<256x1xf32> to vector<256x128xf32>
      %eq3A_42 = arith.cmpf oeq, %select_n3A_37, %eq3A_41 : vector<256x128xf32>
      %jit3A_43 = arith.constant 127 : i32
      %broadcast_in_dim3A_44 = vector.broadcast %jit3A_43 : i32 to vector<256x128xi32>
      %select_n3A_45 = arith.select %eq3A_42, %iota3A, %broadcast_in_dim3A_44 : vector<256x128xi1>, vector<256x128xi32>
      %reduce_min3A_46 = arith.constant dense<2147483647> : vector<256xi32>
      %reduce_min3A_47 = vector.multi_reduction <minsi>, %select_n3A_45, %reduce_min3A_46 [1] : vector<256x128xi32> to vector<256xi32>
      %broadcast_in_dim3A_48 = vector.shape_cast %reduce_min3A_47 : vector<256xi32> to vector<256x1xi32>
      %sub3A = arith.subf %broadcast_in_dim3A_40, %broadcast_in_dim3A_25 : vector<256x1xf32>
      %exp3A = math.exp %sub3A : vector<256x1xf32>
      %add3A = arith.constant 1.000000e+00 : f32
      %add3A_49 = vector.broadcast %add3A : f32 to vector<256x1xf32>
      %add3A_50 = arith.addf %add3A_49, %exp3A : vector<256x1xf32>
      %div3A = arith.constant 1.000000e+00 : f32
      %div3A_51 = vector.broadcast %div3A : f32 to vector<256x1xf32>
      %div3A_52 = arith.divf %div3A_51, %add3A_50 : vector<256x1xf32>
      %div3A_53 = arith.divf %exp3A, %add3A_50 : vector<256x1xf32>
      %eq3A_54 = vector.broadcast %broadcast_in_dim3A_32 : vector<256x1xi32> to vector<256x128xi32>
      %eq3A_55 = arith.cmpi eq, %iota3A, %eq3A_54 : vector<256x128xi32>
      %eq3A_56 = vector.broadcast %broadcast_in_dim3A_48 : vector<256x1xi32> to vector<256x128xi32>
      %eq3A_57 = arith.cmpi eq, %iota3A, %eq3A_56 : vector<256x128xi32>
      %or3A = arith.ori %eq3A_55, %eq3A_57 : vector<256x128xi1>
      %jit3A_58 = arith.constant 1.000000e+00 : f32
      %jit3A_59 = arith.constant 0.000000e+00 : f32
      %broadcast_in_dim3A_60 = vector.broadcast %jit3A_58 : f32 to vector<256x128xf32>
      %broadcast_in_dim3A_61 = vector.broadcast %jit3A_59 : f32 to vector<256x128xf32>
      %select_n3A_62 = arith.select %or3A, %broadcast_in_dim3A_60, %broadcast_in_dim3A_61 : vector<256x128xi1>, vector<256x128xf32>
      %jit3A_63 = arith.constant 0.000000e+00 : f32
      %broadcast_in_dim3A_64 = vector.shape_cast %div3A_52 : vector<256x1xf32> to vector<256x1xf32>
      %broadcast_in_dim3A_65 = vector.broadcast %broadcast_in_dim3A_64 : vector<256x1xf32> to vector<256x128xf32>
      %broadcast_in_dim3A_66 = vector.broadcast %jit3A_63 : f32 to vector<256x128xf32>
      %select_n3A_67 = arith.select %eq3A_55, %broadcast_in_dim3A_65, %broadcast_in_dim3A_66 : vector<256x128xi1>, vector<256x128xf32>
      %jit3A_68 = arith.constant 0.000000e+00 : f32
      %broadcast_in_dim3A_69 = vector.shape_cast %div3A_53 : vector<256x1xf32> to vector<256x1xf32>
      %broadcast_in_dim3A_70 = vector.broadcast %broadcast_in_dim3A_69 : vector<256x1xf32> to vector<256x128xf32>
      %broadcast_in_dim3A_71 = vector.broadcast %jit3A_68 : f32 to vector<256x128xf32>
      %select_n3A_72 = arith.select %eq3A_57, %broadcast_in_dim3A_70, %broadcast_in_dim3A_71 : vector<256x128xi1>, vector<256x128xf32>
      %add3A_73 = arith.addf %select_n3A_67, %select_n3A_72 : vector<256x128xf32>
      %iota3A_74 = tpu.iota {dimensions = array<i32: 0>} : vector<256x256xi32>
      %iota3A_75 = tpu.iota {dimensions = array<i32: 1>} : vector<256x256xi32>
      %ge3A_76 = arith.cmpi sge, %iota3A_74, %iota3A_75 : vector<256x256xi32>
      %jit3A_77 = arith.constant 1.000000e+00 : f32
      %jit3A_78 = arith.constant 0.000000e+00 : f32
      %broadcast_in_dim3A_79 = vector.broadcast %jit3A_77 : f32 to vector<256x256xf32>
      %broadcast_in_dim3A_80 = vector.broadcast %jit3A_78 : f32 to vector<256x256xf32>
      %select_n3A_81 = arith.select %ge3A_76, %broadcast_in_dim3A_79, %broadcast_in_dim3A_80 : vector<256x256xi1>, vector<256x256xf32>
      %dot_general3A_82 = arith.constant dense<0.000000e+00> : vector<256x128xf32>
      %dot_general3A_83 = tpu.matmul %select_n3A_81, %select_n3A_62, %dot_general3A_82 {dimension_numbers = #tpu.dot_dimension_numbers<[1], [0], [0], [1], [0, 0, 1, 1], [], []>, transpose_lhs_hint = false} : vector<256x256xf32>, vector<256x128xf32>, vector<256x128xf32> -> vector<256x128xf32>
      %get3A_84 = arith.constant 0 : index
      %get3A_85 = arith.constant 0 : index
      %get3A_86 = vector.load %arg8[%get3A_84, %get3A_85] : memref<8x128xf32, #tpu.memory_space<vmem>>, vector<1x128xf32>
      %add3A_87 = vector.broadcast %get3A_86 : vector<1x128xf32> to vector<256x128xf32>
      %add3A_88 = arith.addf %add3A_87, %dot_general3A_83 : vector<256x128xf32>
      %sub3A_89 = arith.constant 1.000000e+00 : f32
      %sub3A_90 = vector.broadcast %sub3A_89 : f32 to vector<256x128xf32>
      %sub3A_91 = arith.subf %add3A_88, %sub3A_90 : vector<256x128xf32>
      %lt3A_92 = arith.constant 6.400000e+02 : f32
      %lt3A_93 = vector.broadcast %lt3A_92 : f32 to vector<256x128xf32>
      %lt3A_94 = arith.cmpf olt, %sub3A_91, %lt3A_93 : vector<256x128xf32>
      %jit3A_95 = arith.constant 1.000000e+00 : f32
      %jit3A_96 = arith.constant 0.000000e+00 : f32
      %broadcast_in_dim3A_97 = vector.broadcast %jit3A_95 : f32 to vector<256x128xf32>
      %broadcast_in_dim3A_98 = vector.broadcast %jit3A_96 : f32 to vector<256x128xf32>
      %select_n3A_99 = arith.select %lt3A_94, %broadcast_in_dim3A_97, %broadcast_in_dim3A_98 : vector<256x128xi1>, vector<256x128xf32>
      %mul3A = arith.mulf %select_n3A_62, %select_n3A_99 : vector<256x128xf32>
      %swap3A_100 = arith.constant 0 : index
      %swap3A_101 = arith.constant 0 : index
      %swap3A_102 = vector.load %arg3[%swap3A_100, %swap3A_101] : memref<256x128xf32, #tpu.memory_space<vmem>>, vector<256x128xf32>
      tpu.vector_store %arg3[%swap3A_100, %swap3A_101], %mul3A {strides = array<i32>} : memref<256x128xf32, #tpu.memory_space<vmem>>, vector<256x128xf32>,
      %mul3A_103 = arith.mulf %mul3A, %add3A_73 : vector<256x128xf32>
      %swap3A_104 = arith.constant 0 : index
      %swap3A_105 = arith.constant 0 : index
      %swap3A_106 = vector.load %arg4[%swap3A_104, %swap3A_105] : memref<256x128xf32, #tpu.memory_space<vmem>>, vector<256x128xf32>
      tpu.vector_store %arg4[%swap3A_104, %swap3A_105], %mul3A_103 {strides = array<i32>} : memref<256x128xf32, #tpu.memory_space<vmem>>, vector<256x128xf32>,
      %slice3A = vector.extract_strided_slice %dot_general3A_83 {offsets = [255, 0], sizes = [1, 128], strides = [1, 1]} : vector<256x128xf32> to vector<1x128xf32>
      %add3A_107 = arith.addf %get3A_86, %slice3A : vector<1x128xf32>
      %swap3A_108 = arith.constant 0 : index
      %swap3A_109 = arith.constant 0 : index
      %swap3A_110 = vector.load %arg8[%swap3A_108, %swap3A_109] : memref<8x128xf32, #tpu.memory_space<vmem>>, vector<1x128xf32>
      tpu.vector_store %arg8[%swap3A_108, %swap3A_109], %add3A_107 {strides = array<i32>} : memref<8x128xf32, #tpu.memory_space<vmem>>, vector<1x128xf32>,
      %jit3A_111 = arith.constant 0.000000e+00 : f32
      %broadcast_in_dim3A_112 = vector.broadcast %jit3A_111 : f32 to vector<256x128xf32>
      %select_n3A_113 = arith.select %eq3A_55, %sub3A_91, %broadcast_in_dim3A_112 : vector<256x128xi1>, vector<256x128xf32>
      %reduce_sum3A = arith.constant dense<0.000000e+00> : vector<256xf32>
      %reduce_sum3A_114 = vector.multi_reduction <add>, %select_n3A_113, %reduce_sum3A [1] : vector<256x128xf32> to vector<256xf32>
      %broadcast_in_dim3A_115 = vector.shape_cast %reduce_sum3A_114 : vector<256xf32> to vector<256x1xf32>
      %jit3A_116 = arith.constant 0.000000e+00 : f32
      %broadcast_in_dim3A_117 = vector.broadcast %jit3A_116 : f32 to vector<256x128xf32>
      %select_n3A_118 = arith.select %eq3A_57, %sub3A_91, %broadcast_in_dim3A_117 : vector<256x128xi1>, vector<256x128xf32>
      %reduce_sum3A_119 = arith.constant dense<0.000000e+00> : vector<256xf32>
      %reduce_sum3A_120 = vector.multi_reduction <add>, %select_n3A_118, %reduce_sum3A_119 [1] : vector<256x128xf32> to vector<256xf32>
      %broadcast_in_dim3A_121 = vector.shape_cast %reduce_sum3A_120 : vector<256xf32> to vector<256x1xf32>
      %lt3A_122 = arith.constant 6.400000e+02 : f32
      %lt3A_123 = vector.broadcast %lt3A_122 : f32 to vector<256x1xf32>
      %lt3A_124 = arith.cmpf olt, %broadcast_in_dim3A_115, %lt3A_123 : vector<256x1xf32>
      %mul3A_125 = arith.constant 640 : i32
      %mul3A_126 = vector.broadcast %mul3A_125 : i32 to vector<256x1xi32>
      %mul3A_127 = arith.muli %broadcast_in_dim3A_32, %mul3A_126 : vector<256x1xi32>
      %convert_element_type3A_128 = arith.fptosi %broadcast_in_dim3A_115 : vector<256x1xf32> to vector<256x1xi32>
      %add3A_129 = arith.addi %mul3A_127, %convert_element_type3A_128 : vector<256x1xi32>
      %jit3A_130 = arith.constant 5120 : i32
      %broadcast_in_dim3A_131 = vector.broadcast %jit3A_130 : i32 to vector<256x1xi32>
      %select_n3A_132 = arith.select %lt3A_124, %add3A_129, %broadcast_in_dim3A_131 : vector<256x1xi1>, vector<256x1xi32>
      %lt3A_133 = arith.constant 6.400000e+02 : f32
      %lt3A_134 = vector.broadcast %lt3A_133 : f32 to vector<256x1xf32>
      %lt3A_135 = arith.cmpf olt, %broadcast_in_dim3A_121, %lt3A_134 : vector<256x1xf32>
      %mul3A_136 = arith.constant 640 : i32
      %mul3A_137 = vector.broadcast %mul3A_136 : i32 to vector<256x1xi32>
      %mul3A_138 = arith.muli %broadcast_in_dim3A_48, %mul3A_137 : vector<256x1xi32>
      %convert_element_type3A_139 = arith.fptosi %broadcast_in_dim3A_121 : vector<256x1xf32> to vector<256x1xi32>
      %add3A_140 = arith.addi %mul3A_138, %convert_element_type3A_139 : vector<256x1xi32>
      %jit3A_141 = arith.constant 5120 : i32
      %broadcast_in_dim3A_142 = vector.broadcast %jit3A_141 : i32 to vector<256x1xi32>
      %select_n3A_143 = arith.select %lt3A_135, %add3A_140, %broadcast_in_dim3A_142 : vector<256x1xi1>, vector<256x1xi32>
      %eq3A_144 = arith.constant 0 : i32
      %eq3A_145 = vector.broadcast %eq3A_144 : i32 to vector<256x128xi32>
      %eq3A_146 = arith.cmpi eq, %iota3A, %eq3A_145 : vector<256x128xi32>
      %eq3A_147 = arith.constant 1 : i32
      %eq3A_148 = vector.broadcast %eq3A_147 : i32 to vector<256x128xi32>
      %eq3A_149 = arith.cmpi eq, %iota3A, %eq3A_148 : vector<256x128xi32>
      %jit3A_150 = arith.constant 5120 : i32
      %broadcast_in_dim3A_151 = vector.shape_cast %select_n3A_143 : vector<256x1xi32> to vector<256x1xi32>
      %broadcast_in_dim3A_152 = vector.broadcast %broadcast_in_dim3A_151 : vector<256x1xi32> to vector<256x128xi32>
      %broadcast_in_dim3A_153 = vector.broadcast %jit3A_150 : i32 to vector<256x128xi32>
      %select_n3A_154 = arith.select %eq3A_149, %broadcast_in_dim3A_152, %broadcast_in_dim3A_153 : vector<256x128xi1>, vector<256x128xi32>
      %broadcast_in_dim3A_155 = vector.shape_cast %select_n3A_132 : vector<256x1xi32> to vector<256x1xi32>
      %broadcast_in_dim3A_156 = vector.broadcast %broadcast_in_dim3A_155 : vector<256x1xi32> to vector<256x128xi32>
      %select_n3A_157 = arith.select %eq3A_146, %broadcast_in_dim3A_156, %select_n3A_154 : vector<256x128xi1>, vector<256x128xi32>
      %swap3A_158 = arith.constant 0 : index
      %swap3A_159 = arith.constant 0 : index
      %swap3A_160 = vector.load %arg5[%swap3A_158, %swap3A_159] : memref<256x128xi32, #tpu.memory_space<vmem>>, vector<256x128xi32>
      tpu.vector_store %arg5[%swap3A_158, %swap3A_159], %select_n3A_157 {strides = array<i32>} : memref<256x128xi32, #tpu.memory_space<vmem>>, vector<256x128xi32>,
      %min3A = arith.constant 6.400000e+02 : f32
      %min3A_161 = vector.broadcast %min3A : f32 to vector<1x128xf32>
      %min3A_162 = arith.minimumf %add3A_107, %min3A_161 : vector<1x128xf32>
      %iota3A_163 = tpu.iota {dimensions = array<i32: 0>} : vector<8x128xi32>
      %iota3A_164 = tpu.iota {dimensions = array<i32: 1>} : vector<8x128xi32>
      %eq3A_165 = arith.cmpi eq, %iota3A_163, %iota3A_164 : vector<8x128xi32>
      %broadcast_in_dim3A_166 = vector.shape_cast %min3A_162 : vector<1x128xf32> to vector<1x128xf32>
      %broadcast_in_dim3A_167 = vector.broadcast %broadcast_in_dim3A_166 : vector<1x128xf32> to vector<8x128xf32>
      %jit3A_168 = arith.constant 0.000000e+00 : f32
      %broadcast_in_dim3A_169 = vector.broadcast %jit3A_168 : f32 to vector<8x128xf32>
      %select_n3A_170 = arith.select %eq3A_165, %broadcast_in_dim3A_167, %broadcast_in_dim3A_169 : vector<8x128xi1>, vector<8x128xf32>
      %reduce_sum3A_171 = arith.constant dense<0.000000e+00> : vector<8xf32>
      %reduce_sum3A_172 = vector.multi_reduction <add>, %select_n3A_170, %reduce_sum3A_171 [1] : vector<8x128xf32> to vector<8xf32>
      %broadcast_in_dim3A_173 = vector.shape_cast %reduce_sum3A_172 : vector<8xf32> to vector<8x1xf32>
      %iota3A_174 = tpu.iota {dimensions = array<i32: 1>} : vector<8x640xi32>
      %convert_element_type3A_175 = arith.sitofp %iota3A_174 : vector<8x640xi32> to vector<8x640xf32>
      %lt3A_176 = vector.broadcast %broadcast_in_dim3A_173 : vector<8x1xf32> to vector<8x640xf32>
      %lt3A_177 = arith.cmpf olt, %convert_element_type3A_175, %lt3A_176 : vector<8x640xf32>
      %jit3A_178 = arith.constant 1.000000e+00 : f32
      %jit3A_179 = arith.constant 0.000000e+00 : f32
      %broadcast_in_dim3A_180 = vector.broadcast %jit3A_178 : f32 to vector<8x640xf32>
      %broadcast_in_dim3A_181 = vector.broadcast %jit3A_179 : f32 to vector<8x640xf32>
      %select_n3A_182 = arith.select %lt3A_177, %broadcast_in_dim3A_180, %broadcast_in_dim3A_181 : vector<8x640xi1>, vector<8x640xf32>
      %swap3A_183 = arith.constant 0 : index
      %swap3A_184 = arith.constant 0 : index
      %swap3A_185 = vector.load %arg6[%swap3A_183, %swap3A_184] : memref<8x640xf32, #tpu.memory_space<vmem>>, vector<8x640xf32>
      tpu.vector_store %arg6[%swap3A_183, %swap3A_184], %select_n3A_182 {strides = array<i32>} : memref<8x640xf32, #tpu.memory_space<vmem>>, vector<8x640xf32>,
    } else {
    }
    return
  }
  func.func @transform_0(%arg0: i32) -> (i32, i32) {
    %min3A = arith.constant 7 : i32
    %min3A_0 = arith.minsi %arg0, %min3A : i32
    %c0_i32 = arith.constant 0 : i32
    %c0_i32_1 = arith.constant 0 : i32
    return %min3A_0, %c0_i32 : i32, i32
  }
  func.func @transform_1(%arg0: i32) -> (i32, i32) {
    %c0_i32 = arith.constant 0 : i32
    %c0_i32_0 = arith.constant 0 : i32
    %c0_i32_1 = arith.constant 0 : i32
    return %c0_i32, %c0_i32_0 : i32, i32
  }
  func.func @transform_2(%arg0: i32) -> (i32, i32) {
    %min3A = arith.constant 7 : i32
    %min3A_0 = arith.minsi %arg0, %min3A : i32
    %c0_i32 = arith.constant 0 : i32
    %c0_i32_1 = arith.constant 0 : i32
    return %min3A_0, %c0_i32 : i32, i32
  }
  func.func @transform_3(%arg0: i32) -> (i32, i32) {
    %min3A = arith.constant 7 : i32
    %min3A_0 = arith.minsi %arg0, %min3A : i32
    %c0_i32 = arith.constant 0 : i32
    %c0_i32_1 = arith.constant 0 : i32
    return %min3A_0, %c0_i32 : i32, i32
  }
  func.func @transform_4(%arg0: i32) -> (i32, i32) {
    %min3A = arith.constant 7 : i32
    %min3A_0 = arith.minsi %arg0, %min3A : i32
    %c0_i32 = arith.constant 0 : i32
    %c0_i32_1 = arith.constant 0 : i32
    return %min3A_0, %c0_i32 : i32, i32
  }
  func.func @transform_5(%arg0: i32) -> (i32, i32) {
    %c0_i32 = arith.constant 0 : i32
    %c0_i32_0 = arith.constant 0 : i32
    %c0_i32_1 = arith.constant 0 : i32
    return %c0_i32, %c0_i32_0 : i32, i32
  }
  func.func @transform_6(%arg0: i32) -> (i32, i32) {
    %c0_i32 = arith.constant 0 : i32
    %c0_i32_0 = arith.constant 0 : i32
    return %arg0, %c0_i32 : i32, i32
  }
}

module attributes {stable_mosaic.version = 14 : i64} {
  func.func @_write_body(%arg0: i32, %arg1: memref<256x128xf32, #tpu.memory_space<vmem>>, %arg2: memref<256x128xf32, #tpu.memory_space<vmem>>, %arg3: memref<8x640xf32, #tpu.memory_space<vmem>>, %arg4: memref<256x8x640xf32, #tpu.memory_space<vmem>>, %arg5: memref<256x8x640xf32, #tpu.memory_space<vmem>>) attributes {dimension_semantics = [#tpu.dimension_semantics<arbitrary>], iteration_bounds = array<i64: 8>, scalar_prefetch = 0 : i64, scratch_operands = 0 : i64, tpu.core_type = #tpu.core_type<tc>, window_params = [{transform_indices = @transform_0, window_bounds = array<i64: 256, 128>}, {transform_indices = @transform_1, window_bounds = array<i64: 256, 128>}, {pipeline_mode = #tpu.pipeline_mode<synchronous>, transform_indices = @transform_2, window_bounds = array<i64: 8, 640>}, {transform_indices = @transform_3, window_bounds = array<i64: 256, 8, 640>}, {transform_indices = @transform_4, window_bounds = array<i64: 256, 8, 640>}]} {
    %get3A = arith.constant 0 : index
    %get3A_0 = arith.constant 0 : index
    %get3A_1 = vector.load %arg1[%get3A, %get3A_0] : memref<256x128xf32, #tpu.memory_space<vmem>>, vector<256x8xf32>
    %get3A_2 = arith.constant 0 : index
    %get3A_3 = arith.constant 0 : index
    %get3A_4 = vector.load %arg2[%get3A_2, %get3A_3] : memref<256x128xf32, #tpu.memory_space<vmem>>, vector<256x8xf32>
    %get3A_5 = arith.constant 0 : index
    %get3A_6 = arith.constant 0 : index
    %get3A_7 = vector.load %arg3[%get3A_5, %get3A_6] : memref<8x640xf32, #tpu.memory_space<vmem>>, vector<8x640xf32>
    %broadcast_in_dim3A = vector.shape_cast %get3A_1 : vector<256x8xf32> to vector<256x8x1xf32>
    %broadcast_in_dim3A_8 = vector.shape_cast %get3A_7 : vector<8x640xf32> to vector<1x8x640xf32>
    %mul3A = vector.broadcast %broadcast_in_dim3A : vector<256x8x1xf32> to vector<256x8x640xf32>
    %mul3A_9 = vector.broadcast %broadcast_in_dim3A_8 : vector<1x8x640xf32> to vector<256x8x640xf32>
    %mul3A_10 = arith.mulf %mul3A, %mul3A_9 : vector<256x8x640xf32>
    %swap3A = arith.constant 0 : index
    %swap3A_11 = arith.constant 0 : index
    %swap3A_12 = arith.constant 0 : index
    %swap3A_13 = vector.load %arg5[%swap3A, %swap3A_11, %swap3A_12] : memref<256x8x640xf32, #tpu.memory_space<vmem>>, vector<256x8x640xf32>
    tpu.vector_store %arg5[%swap3A, %swap3A_11, %swap3A_12], %mul3A_10 {strides = array<i32>} : memref<256x8x640xf32, #tpu.memory_space<vmem>>, vector<256x8x640xf32>,
    %broadcast_in_dim3A_14 = vector.shape_cast %get3A_4 : vector<256x8xf32> to vector<256x8x1xf32>
    %broadcast_in_dim3A_15 = vector.shape_cast %get3A_7 : vector<8x640xf32> to vector<1x8x640xf32>
    %mul3A_16 = vector.broadcast %broadcast_in_dim3A_14 : vector<256x8x1xf32> to vector<256x8x640xf32>
    %mul3A_17 = vector.broadcast %broadcast_in_dim3A_15 : vector<1x8x640xf32> to vector<256x8x640xf32>
    %mul3A_18 = arith.mulf %mul3A_16, %mul3A_17 : vector<256x8x640xf32>
    %swap3A_19 = arith.constant 0 : index
    %swap3A_20 = arith.constant 0 : index
    %swap3A_21 = arith.constant 0 : index
    %swap3A_22 = vector.load %arg4[%swap3A_19, %swap3A_20, %swap3A_21] : memref<256x8x640xf32, #tpu.memory_space<vmem>>, vector<256x8x640xf32>
    tpu.vector_store %arg4[%swap3A_19, %swap3A_20, %swap3A_21], %mul3A_18 {strides = array<i32>} : memref<256x8x640xf32, #tpu.memory_space<vmem>>, vector<256x8x640xf32>,
    return
  }
  func.func @transform_0(%arg0: i32) -> (i32, i32) {
    %c0_i32 = arith.constant 0 : i32
    %c0_i32_0 = arith.constant 0 : i32
    return %arg0, %c0_i32 : i32, i32
  }
  func.func @transform_1(%arg0: i32) -> (i32, i32) {
    %c0_i32 = arith.constant 0 : i32
    %c0_i32_0 = arith.constant 0 : i32
    return %arg0, %c0_i32 : i32, i32
  }
  func.func @transform_2(%arg0: i32) -> (i32, i32) {
    %c0_i32 = arith.constant 0 : i32
    %c0_i32_0 = arith.constant 0 : i32
    %c0_i32_1 = arith.constant 0 : i32
    return %c0_i32, %c0_i32_0 : i32, i32
  }
  func.func @transform_3(%arg0: i32) -> (i32, i32, i32) {
    %c0_i32 = arith.constant 0 : i32
    %c0_i32_0 = arith.constant 0 : i32
    %c0_i32_1 = arith.constant 0 : i32
    return %arg0, %c0_i32, %c0_i32_0 : i32, i32, i32
  }
  func.func @transform_4(%arg0: i32) -> (i32, i32, i32) {
    %c0_i32 = arith.constant 0 : i32
    %c0_i32_0 = arith.constant 0 : i32
    %c0_i32_1 = arith.constant 0 : i32
    return %arg0, %c0_i32, %c0_i32_0 : i32, i32, i32
  }
}

</mosaic_0001>

<sc_bundles>
// kernel: kernel.5.cloned.1.call-start
scs
__scs_entry_jumppad:
0x0: {  	(pc) =	sbr.rel $0x88, $3  }
0x1: {  	(tag) =	ssettag $0x0;
	lr =	simm.s32 $0x1  }
0x2: {  	[smem:$0x3F9F] =	sst lr;
	_ =	strace $0xD0000000  }
0x3: {  	_ = 	snop  }
0x4: {  	_ = 	snop  }
0x5: {  	_ = 	snop  }
0x6: {  	_ = 	snop  }
0x7: {  	_ = 	snop  }
__scs_overlays_trampoline_lowered:
0x8: {  	[smem:$0x3FAE] =	sst s0  }
0x9: {  	[smem:$0x3FAF] =	sst s1  }
0xa: {  	[smem:$0x3FB0] =	sst s2  }
0xb: {  	[smem:$0x3FB1] =	sst s3  }
0xc: {  	[smem:$0x3FB2] =	sst s4  }
0xd: {  	[smem:$0x3FB3] =	sst s5  }
0xe: {  	[smem:$0x3FB4] =	sst s6  }
0xf: {  	[smem:$0x3FB5] =	sst s7  }
0x10: {  	[smem:$0x3FB6] =	sst s8  }
0x11: {  	[smem:$0x3FB7] =	sst s9;
	s0 =	simm.s32 @!p0 $0x0  }
0x12: {  	s1 =	sld [smem:$0x3F9D];
	s0 =	simm.s32 @p0 $0x1  }
0x13: {  	[smem:$0x3FB8] =	sst s0;
	s0 =	simm.s32 @!p1 $0x0  }
0x14: {  	s2 =	sld [smem:$0x3F9C];
	s0 =	simm.s32 @p1 $0x1  }
0x15: {  	[smem:$0x3FB9] =	sst s0;
	s0 =	simm.s32 @!p2 $0x0  }
0x16: {  	s3 =	sld [smem:$0x3FDB];
	s0 =	simm.s32 @p2 $0x1  }
0x17: {  	s4 =	simm.s32 $0x1BF5;
	[smem:$0x3FBB] =	sst s0  }
0x18: {  	s0 =	sld [smem:$0x3F9E];
	_ =	swait.ge [sflag:s4], $0x0  }
0x19: {  	s7 =	sld [smem:$0x3F9F]  }
0x1a: {  	s8 =	sadd.s32 $0xFFFFE003, lr  }
0x1b: {  	s9 =	sadd.s32 $0xFFFFFEF7, lr;
	s5 =	simm.s32 $0xFFFFFFFF;
	p2 =	slt.u32 s8, $0xFFFFF086  }
0x1c: {  	p1 =	slt.u32 s9, $0xF7A;
	s5 =	simm.s32 @!p2 $0x0  }
0x1d: {  	s5 =	simm.s32 @p1 $0x1;
	p0 =	seq.s32 s7, s2  }
0x1e: {  	s7 =	smul.u32 @!p0 $0xF7A, s2;
	p2 =	seq.s32 @!p0 s5, $0x0  }
0x1f: {  	s9 =	smul.u32 $0xF7A, s1;
	s8 =	simm.s32 @!p0 $0x1BF5;
	p2 =	por !p2, p0  }
0x20: {  	[sflag:s8] =	ssyncset.s32 @!p0 $0xFFFFF086;
	s6 =	sadd.s32 @!p0 s3, s7;
	s7 =	simm.s32 @!p0 $0x108  }
0x21: {  	s3 =	sadd.s32 s3, s9;
	s6 =	sadd.s32 @!p0 $0x88, s6;
	s7 =	simm.s32 @p2 $0x1082  }
0x22: {  	[simem:s7], [sflag:s8] =	dma.local @!p0 [hbm:s6], $0xF7A  }
0x23: {  	s9 =	sor.u32 $0xD0000000, s2;
	s6 =	simm.s32 $0x108;
	_ =	swait.ge @!p0 [sflag:s8], $0x0  }
0x24: {  	s3 =	sadd.s32 $0x88, s3;
	s6 =	simm.s32 @!p1 $0x1082;
	[sflag:s4] =	ssyncset.s32 $0xFFFFF086  }
0x25: {  	[simem:s6], [sflag:s4] =	dma.local [hbm:s3], $0xF7A  }
0x26: {  	[smem:$0x3F9F] =	sst s1;
	(tag) =	ssettag s2;
	_ =	strace s9  }
0x27: {  	s1 =	sld [smem:$0x3FAF]  }
0x28: {  	s2 =	sld [smem:$0x3FB0]  }
0x29: {  	s4 =	sld [smem:$0x3FB2]  }
0x2a: {  	p0 =	seq.s32 s5, $0x0;
	s5 =	sld [smem:$0x3FB3]  }
0x2b: {  	s6 =	sld [smem:$0x3FB4]  }
0x2c: {  	s7 =	sld [smem:$0x3FB5]  }
0x2d: {  	s3 =	simm.s32 $0x108;
	s8 =	sld [smem:$0x3FB6]  }
0x2e: {  	s3 =	simm.s32 @!p0 $0x1082;
	s9 =	sld [smem:$0x3FB7]  }
0x2f: {  	lr =	sadd.s32 s0, s3;
	s0 =	sld [smem:$0x3FAE]  }
0x30: {  	s3 =	sld [smem:$0x3FB1]  }
0x31: {  	[smem:$0x3FBA] =	sst s10  }
0x32: {  	s10 =	sld [smem:$0x3FB8];
	_ =	sdelay $0x3  }
0x33: {  	p0 =	seq.s32 s10, $0x1;
	s10 =	sld [smem:$0x3FBA];
	_ =	sdelay $0x3  }
0x34: {  	[smem:$0x3FBA] =	sst s10  }
0x35: {  	s10 =	sld [smem:$0x3FB9];
	_ =	sdelay $0x3  }
0x36: {  	p1 =	seq.s32 s10, $0x1;
	s10 =	sld [smem:$0x3FBA];
	_ =	sdelay $0x3  }
0x37: {  	[smem:$0x3FBA] =	sst s10  }
0x38: {  	s10 =	sld [smem:$0x3FBB]  }
0x39: {  	_ = 	snop;
	(pc) =	sbr.ind lr, $3  }
0x3a: {  	_ = 	snop  }
0x3b: {  	_ = 	snop  }
0x3c: {  	p2 =	seq.s32 s10, $0x1;
	s10 =	sld [smem:$0x3FBA]  }
0x3d: {  	_ =	shalt  }
0x3e: {  	_ =	shalt  }
0x3f: {  	_ =	shalt  }
0x40: {  	_ =	shalt  }
0x41: {  	_ =	shalt  }
0x42: {  	_ =	shalt  }
0x43: {  	_ =	shalt  }
0x44: {  	_ =	shalt  }
0x45: {  	_ =	shalt  }
0x46: {  	_ =	shalt  }
0x47: {  	_ =	shalt  }
0x48: {  	_ =	shalt  }
0x49: {  	_ =	shalt  }
0x4a: {  	_ =	shalt  }
0x4b: {  	_ =	shalt  }
0x4c: {  	_ =	shalt  }
0x4d: {  	_ =	shalt  }
0x4e: {  	_ =	shalt  }
0x4f: {  	_ =	shalt  }
0x50: {  	_ =	shalt  }
0x51: {  	_ =	shalt  }
0x52: {  	_ =	shalt  }
0x53: {  	_ =	shalt  }
0x54: {  	_ =	shalt  }
0x55: {  	_ =	shalt  }
0x56: {  	_ =	shalt  }
0x57: {  	_ =	shalt  }
0x58: {  	_ =	shalt  }
0x59: {  	_ =	shalt  }
0x5a: {  	_ =	shalt  }
0x5b: {  	_ =	shalt  }
0x5c: {  	_ =	shalt  }
0x5d: {  	_ =	shalt  }
0x5e: {  	_ =	shalt  }
0x5f: {  	_ =	shalt  }
0x60: {  	_ =	shalt  }
0x61: {  	_ =	shalt  }
0x62: {  	_ =	shalt  }
0x63: {  	_ =	shalt  }
0x64: {  	_ =	shalt  }
0x65: {  	_ =	shalt  }
0x66: {  	_ =	shalt  }
0x67: {  	_ =	shalt  }
0x68: {  	_ =	shalt  }
0x69: {  	_ =	shalt  }
0x6a: {  	_ =	shalt  }
0x6b: {  	_ =	shalt  }
0x6c: {  	_ =	shalt  }
0x6d: {  	_ =	shalt  }
0x6e: {  	_ =	shalt  }
0x6f: {  	_ =	shalt  }
0x70: {  	_ =	shalt  }
0x71: {  	_ =	shalt  }
0x72: {  	_ =	shalt  }
0x73: {  	_ =	shalt  }
0x74: {  	_ =	shalt  }
0x75: {  	_ =	shalt  }
0x76: {  	_ =	shalt  }
0x77: {  	_ =	shalt  }
0x78: {  	_ =	shalt  }
0x79: {  	_ =	shalt  }
0x7a: {  	_ =	shalt  }
0x7b: {  	_ =	shalt  }
0x7c: {  	_ =	shalt  }
0x7d: {  	_ =	shalt  }
0x7e: {  	_ =	shalt  }
0x7f: {  	_ =	shalt  }
0x80: {  	_ =	shalt  }
0x81: {  	_ =	shalt  }
0x82: {  	_ =	shalt  }
0x83: {  	_ =	shalt  }
0x84: {  	_ =	shalt  }
0x85: {  	_ =	shalt  }
0x86: {  	_ =	shalt  }
0x87: {  	_ =	shalt  }
.Lfunc_end0:
.L_simem_size_0:
called_computation_lowered:
.L_overlay_start_0:
0x88: {  	s2 =	sld [smem:$0x3FD9]  }
0x89: {  	s3 =	sld [smem:$0x3FFE];
	_ =	sdelay $0x1  }
0x8a: {  	s1 =	srdreg.scid  }
0x8b: {  	s0 =	sand.u32 $0x1, s1  }
0x8c: {  	s14 =	sshll.u32 s0, $0xA;
	s2 =	sadd.s32 s3, s2  }
0x8d: {  	s2 =	sadd.s32 s2, s14  }
0x8e: {  	[smem:$0x3FC6] =	sst s2  }
0x8f: {  	_ = 	snop  }
0x90: {  	s2 =	sld [smem:$0x3FD0];
	_ =	sdelay $0x2  }
0x91: {  	s15 =	simm.s32 $0xA;
	s4 =	simm.s32 $0x10  }
0x92: {  	[smem:s4], [sflag:s15] =	dma.local [hbm:s2], $0x1  }
0x93: {  	_ =	swait.eq [sflag:s15], $0x1  }
0x94: {  	[sflag:s15] =	ssyncset.done $0x0  }
0x95: {  	[sflag:s15] =	ssyncadd.s32 $0xFFFFFFFF  }
0x96: {  	s16 =	sld [smem:$0x12];
	(tm) =	ssettm $0x1  }
0x97: {  	s17 =	sld [smem:$0x3FFB];
	_ =	sdelay $0x3  }
0x98: {  	_ =	strace s17  }
0x99: {  	s3 =	sld [smem:$0x3FFC];
	_ =	sdelay $0x3  }
0x9a: {  	_ =	strace s3  }
0x9b: {  	s3 =	sld [smem:$0x3FFD];
	_ =	sdelay $0x3  }
0x9c: {  	_ =	strace s3  }
0x9d: {  	_ =	strace $0x8FFFFFFF  }
0x9e: {  	s18 =	sld [smem:$0x3FDB];
	_ =	sdelay $0x1  }
0x9f: {  	s19 =	simm.s32 $_scs_section_size  }
0xa0: {  	s5 =	simm.s32 $_size__tile_overlayer_lowered;
	s6 =	simm.s32 $_tile_overlayer_lowered  }
0xa1: {  	s22 =	simm.s32 $0x1BFF;
	s21 =	sshll.u32 s6, $0x1;
	s3 =	sadd.s32 s19, s18  }
0xa2: {  	s7 =	simm.s32 $0x0;
	s20 =	sshll.u32 s5, $0x1;
	s5 =	sadd.s32 s21, s3  }
0xa3: {  	[timem:s7], [sflag:s22] =	dma.local [hbm:s5], s20  }
0xa4: {  	_ =	swait.ge [sflag:s22], s20  }
0xa5: {  	s4 =	ssub.s32 $0x0, s20;
	[sflag:s22] =	ssyncset.done $0x0  }
0xa6: {  	[sflag:s22] =	ssyncadd.s32 s4;
	_ =	sdelay $0x1  }
0xa7: {  	s23 =	simm.s32 $0x1B8B  }
0xa8: {  	_ =	swait.ge [sflag:s23], $0x1  }
0xa9: {  	[sflag:s23] =	ssyncset.done $0x0  }
0xaa: {  	s25 =	simm.s32 $0x1B8E;
	s24 =	sld [smem:$0x3FFE];
	[sflag:s23] =	ssyncadd.s32 $0xFFFFFFFF  }
0xab: {  	s26 =	simm.s32 $execute0_lowered;
	[smem:$0x3FD2] =	sst s25  }
0xac: {  	s5 =	sshll.u32 s26, $0x1;
	_ =	strace $0x80000046;
	[dreg:$0x1] =	wrdreg $0xFFFFFFFF  }
0xad: {  	s28 =	simm.s32 $_size_execute0_lowered;
	s3 =	sadd.s32 s3, s5;
	[dreg:$0x0] =	wrdreg $0x0  }
0xae: {  	s5 =	sshll.u32 s28, $0x1;
	[dreg:$0x2] =	wrdreg s3  }
0xaf: {  	[dreg:$0x3] =	wrdreg s5  }
0xb0: {  	[dreg:$0x4] =	wrdreg $0xC0  }
0xb1: {  	_ =	task [dreg:s7], $0x5FFFF  }
0xb2: {  	[dreg:$0x1] =	wrdreg $0xFFFFFFFF  }
0xb3: {  	[dreg:$0x0] =	wrdreg $0x60  }
0xb4: {  	[dreg:$0x2] =	wrdreg s24  }
0xb5: {  	[dreg:$0x3] =	wrdreg s16  }
0xb6: {  	[dreg:$0x4] =	wrdreg $0x3800  }
0xb7: {  	[dreg:$0x5] =	wrdreg $0x9  }
0xb8: {  	_ =	task.clear_ibuf [dreg:s7], $0x6FFFF;
	_ =	strace $0x90000046  }
0xb9: {  	s29 =	simm.s32 $0x9;
	_ =	strace $0x8000004B  }
0xba: {  	_ =	swait.ge [sflag:s29], $0x1  }
0xbb: {  	[sflag:s29] =	ssyncadd.s32 $0xFFFFFFFF  }
0xbc: {  	_ =	strace $0x9000004B  }
0xbd: {  	_ =	sfence  }
0xbe: {  	s30 =	sld [smem:$0x0];
	_ =	sdelay $0x2  }
0xbf: {  	s31 =	sshll.u32 s1, $0xD;
	s1 =	sshrl.u32 s1, $0x2  }
0xc0: {  	s3 =	sand.u32 $0x4000, s31;
	s1 =	sadd.s32 s1, s30  }
0xc1: {  	s0 =	sor.u32 s3, s0;
	s1 =	sshll.u32 s1, $0x11  }
0xc2: {  	s0 =	sor.u32 s1, s0  }
0xc3: {  	s0 =	sadd.s32 $0x8F2B, s0  }
0xc4: {  	[sflag:s0] =	ssyncadd.remote.s32 $0x1  }
0xc5: {  	_ =	sfence.sel $0xFFFF  }
0xc6: {  	[dreg:$0x0] =	wrdreg $0xFFFFFFFF;
	(pc) =	sbr.abs _section_cstart, $3  }
0xc7: {  	[dreg:$0x1] =	wrdreg $0xFFFFFFFF  }
0xc8: {  	_ =	task.clear_ibuf [dreg:s7], $0x2FFFF;
	_ =	strace $0x9FFFFFFF  }
0xc9: {  	(tm) =	ssettm $0x7FFFFFFF  }
tec
execute0_lowered:
.L_overlay_start_1:
0x0: {  	(tag) =	ssettag $0x1  }
0x1: {  	s0 =	rddreg [dreg:$0x0]  }
0x2: {  	s1 =	rddreg [dreg:$0x1]  }
0x3: {  	s12 =	rddreg [dreg:$0x2];
	s3 =	simm.s32 $0x0  }
0x4: {  	s10 =	stileid.u32;
	s4 =	srdreg.scid;
	s28 =	simm.s32 $0x5C8  }
0x5: {  	s30 =	simm.s32 $0x85C8;
	s31 =	simm.s32 $0x8DC8;
	s29 =	simm.s32 $0xEDC8  }
0x6: {  	[smem:$0x7FF] =	sst s3;
	s2 =	sshll.u32 s10, $0x5;
	s24 =	sand.u32 $0x1, s4  }
0x7: {  	s6 =	smul.u32 $0x500, s10;
	s4 =	sadd.s32 $0x800, s0;
	s13 =	sshll.u32 s10, $0x8  }
0x8: {  	s11 =	sor.u32 $0x1400, s10;
	_ =	strace $0x80000047;
	s5 =	sadd.s32 s2, s0  }
0x9: {  	s7 =	ssub.s32 $0x2, s24;
	s2 =	sshll.u32 s24, $0x4;
	[dreg:$0x12] =	wrdreg s13  }
0xa: {  	s8 =	sshrl.u32 s7, $0x1;
	s9 =	sor.u32 s10, s2;
	s25 =	sshrl.u32 s6, $0x2  }
0xb: {  	s5 =	sadd.s32 $0x48800, s5;
	s26 =	ssub.s32 s7, s8;
	s8 =	smul.u32 $0x280, s9  }
0xc: {  	s2 =	sadd.s32 s25, s12;
	[dreg:$0x5] =	wrdreg s5;
	s15 =	smul.u32 $0x5000, s9  }
0xd: {  	s14 =	smul.u32 $0x28000, s9;
	[dreg:$0x4] =	wrdreg s2;
	s26 =	smax.u32 s26, $0x1  }
0xe: {  	s7 =	sshrl.u32 s8, $0x2;
	s16 =	sadd.s32 s1, s15;
	[dreg:$0x11] =	wrdreg s26  }
0xf: {  	s5 =	sshrl.u32 s14, $0x3;
	s7 =	sadd.s32 s7, s12;
	[dreg:$0x7] =	wrdreg s16  }
0x10: {  	s1 =	sadd.s32 s1, s5;
	s17 =	sadd.s32 $0x800, s16;
	[dreg:$0x6] =	wrdreg s7  }
0x11: {  	v0 =	vmov s11;
	s11 =	simm.s32 $0x45C8;
	[dreg:$0x8] =	wrdreg s17;
	s18 =	sadd.s32 $0x1000, s1  }
0x12: {  	s13 =	simm.s32 $0xB5C8;
	s19 =	sadd.s32 $0x1800, s1;
	[dreg:$0x9] =	wrdreg s18  }
0x13: {  	s10 =	sadd.s32 $0xA00, s0;
	s20 =	sadd.s32 $0x2000, s1;
	[dreg:$0xa] =	wrdreg s19  }
0x14: {  	s6 =	simm.s32 $0x180;
	s21 =	sadd.s32 $0x2800, s1;
	[dreg:$0xb] =	wrdreg s20  }
0x15: {  	s9 =	sadd.s32 $0x900, s0;
	s22 =	sadd.s32 $0x3000, s1;
	[dreg:$0xc] =	wrdreg s21  }
0x16: {  	s8 =	simm.s32 $0xADC8;
	s23 =	sadd.s32 $0x3800, s1;
	[dreg:$0xd] =	wrdreg s22  }
0x17: {  	s14 =	simm.s32 $0xBDC8;
	s24 =	sadd.s32 $0x4000, s1;
	[dreg:$0xe] =	wrdreg s23  }
0x18: {  	s12 =	sadd.s32 $0xB00, s0;
	s25 =	sadd.s32 $0x4800, s1;
	[dreg:$0xf] =	wrdreg s24  }
0x19: {  	v1 =	vlaneseq.u32;
	s0 =	simm.s32 $0x0;
	s7 =	simm.s32 $0xA5C8;
	[dreg:$0x10] =	wrdreg s25  }
0x1a: {  	v2 =	vimm.s32 $0x800;
	vm0 =	vmmov $0xffff;
	v4 =	vshrl.u32 v1, $0x3;
	s18 =	simm.s32 $0x9;
	s19 =	simm.s32 $0xC5C8;
	s24 =	simm.s32 $0xF5C8  }
0x1b: {  	v3 =	vand.u32 $0x7, v1;
	v5 =	vor.u32 $0x8, v1;
	v4 =	vmul.u32 $0x8, v4;
	s20 =	simm.s32 $0xFDC8;
	s21 =	simm.s32 $0x1;
	s22 =	simm.s32 $0x5  }
.LBB2_1:
0x1c: {  	_ =	strace $0x80000048;
	[tilespmem:$0x0] =	vst v2  }
0x1d: {  	[tilespmem:$0x10] =	vst v2  }
0x1e: {  	[tilespmem:$0x20] =	vst v2  }
0x1f: {  	[tilespmem:$0x30] =	vst v2  }
0x20: {  	[tilespmem:$0x40] =	vst v2  }
0x21: {  	[tilespmem:$0x50] =	vst v2  }
0x22: {  	[tilespmem:$0x60] =	vst v2  }
0x23: {  	[tilespmem:$0x70] =	vst v2  }
0x24: {  	[tilespmem:$0x80] =	vst v2  }
0x25: {  	[tilespmem:$0x90] =	vst v2  }
0x26: {  	[tilespmem:$0xA0] =	vst v2  }
0x27: {  	[tilespmem:$0xB0] =	vst v2  }
0x28: {  	[tilespmem:$0xC0] =	vst v2  }
0x29: {  	[tilespmem:$0xD0] =	vst v2  }
0x2a: {  	[tilespmem:$0xE0] =	vst v2  }
0x2b: {  	[tilespmem:$0xF0] =	vst v2  }
0x2c: {  	[tilespmem:$0x100] =	vst v2  }
0x2d: {  	[tilespmem:$0x110] =	vst v2  }
0x2e: {  	[tilespmem:$0x120] =	vst v2  }
0x2f: {  	[tilespmem:$0x130] =	vst v2;
	s1 =	rddreg [dreg:$0x4]  }
0x30: {  	[spmem:s1] =	stream.linear.scatter [tilespmem:s3], [sflag:$0x9], $0x140, $0x200038;
	[tilespmem:$0x105C8] =	vst v63  }
0x31: {  	_ =	swait.ge [sflag:s18], $0x140  }
0x32: {  	[sflag:s18] =	ssyncset.done $0x0  }
0x33: {  	s26 =	rddreg [dreg:$0x5];
	[sflag:s18] =	ssyncadd.s32 $0xFFFFFEC0  }
0x34: {  	[tilespmem:s6], [sflag:$0x9] =	stream.linear.gather [hbm4b:s26+s3], $0x100, $0x200038;
	[tilespmem:$0x105C8] =	vst v63  }
0x35: {  	_ =	swait.ge [sflag:s18], $0x100  }
0x36: {  	[sflag:s18] =	ssyncset.done $0x0  }
0x37: {  	[sflag:s18] =	ssyncadd.s32 $0xFFFFFF00  }
0x38: {  	v6 =	vld [tilespmem:$0x180]  }
0x39: {  	v7 =	vld [tilespmem:$0x190]  }
0x3a: {  	v8 =	vld [tilespmem:$0x1A0]  }
0x3b: {  	v9 =	vld [tilespmem:$0x1B0]  }
0x3c: {  	v10 =	vld [tilespmem:$0x1C0]  }
0x3d: {  	v11 =	vld [tilespmem:$0x1D0];
	vm1 =	vgt.s32 v6, $0x13FF  }
0x3e: {  	v12 =	vld [tilespmem:$0x1E0];
	v6 =	vsel vm1, v0, v6;
	vm1 =	vgt.s32 v7, $0x13FF  }
0x3f: {  	[tilespmem:$0x180] =	vst v6;
	v6 =	vsel vm1, v0, v7;
	vm1 =	vgt.s32 v8, $0x13FF;
	v7 =	vld [tilespmem:$0x1F0]  }
0x40: {  	[tilespmem:$0x190] =	vst v6;
	v6 =	vsel vm1, v0, v8;
	vm1 =	vgt.s32 v9, $0x13FF;
	v8 =	vld [tilespmem:$0x200]  }
0x41: {  	v59 =	vld [tilespmem:$0x210];
	[tilespmem:$0x1A0] =	vst v6;
	v6 =	vsel vm1, v0, v9;
	vm1 =	vgt.s32 v10, $0x13FF  }
0x42: {  	v60 =	vld [tilespmem:$0x220];
	[tilespmem:$0x1B0] =	vst v6;
	v6 =	vsel vm1, v0, v10;
	vm1 =	vgt.s32 v11, $0x13FF  }
0x43: {  	v61 =	vld [tilespmem:$0x230];
	[tilespmem:$0x1C0] =	vst v6;
	v6 =	vsel vm1, v0, v11;
	vm1 =	vgt.s32 v12, $0x13FF  }
0x44: {  	v62 =	vld [tilespmem:$0x240];
	[tilespmem:$0x1D0] =	vst v6;
	v6 =	vsel vm1, v0, v12;
	vm1 =	vgt.s32 v7, $0x13FF  }
0x45: {  	[tilespmem:$0x1E0] =	vst v6;
	v6 =	vsel vm1, v0, v7;
	vm1 =	vgt.s32 v8, $0x13FF;
	v7 =	vld [tilespmem:$0x250]  }
0x46: {  	[tilespmem:$0x1F0] =	vst v6;
	v6 =	vsel vm1, v0, v8;
	vm1 =	vgt.s32 v59, $0x13FF;
	v8 =	vld [tilespmem:$0x260]  }
0x47: {  	v63 =	vld [tilespmem:$0x270];
	[tilespmem:$0x200] =	vst v6;
	v6 =	vsel vm1, v0, v59;
	vm1 =	vgt.s32 v60, $0x13FF  }
0x48: {  	[tilespmem:$0x210] =	vst v6;
	v6 =	vsel vm1, v0, v60;
	vm1 =	vgt.s32 v61, $0x13FF  }
0x49: {  	[tilespmem:$0x220] =	vst v6;
	v6 =	vsel vm1, v0, v61;
	vm1 =	vgt.s32 v62, $0x13FF  }
0x4a: {  	[tilespmem:$0x230] =	vst v6;
	v6 =	vsel vm1, v0, v62;
	vm1 =	vgt.s32 v7, $0x13FF  }
0x4b: {  	[tilespmem:$0x240] =	vst v6;
	v6 =	vsel vm1, v0, v7;
	vm1 =	vgt.s32 v8, $0x13FF  }
0x4c: {  	s6 =	rddreg [dreg:$0x12];
	[tilespmem:$0x250] =	vst v6;
	v6 =	vsel vm1, v0, v8;
	vm1 =	vgt.s32 v63, $0x13FF  }
0x4d: {  	v7 =	vor.u32 s6, v1;
	[tilespmem:$0x260] =	vst v6;
	v6 =	vsel vm1, v0, v63  }
0x4e: {  	s25 =	simm.s32 $0x0;
	s1 =	simm.s32 $0x40;
	[tilespmem:$0x270] =	vst v6;
	v6 =	vshrl.u32 v7, $0x1  }
.LBB2_2:
0x4f: {  	p0 =	sne.s32 s1, $0x3C0  }
0x50: {  	[tilespmem:s25+$0x280] =	vst v6;
	s6 =	sadd.s32 $0x10, s6;
	s25 =	smov.u32 s1;
	s1 =	sadd.s32 $0x40, s1  }
.Ltmp0:
0x51: {  	(pc) =	sbr.rel @p0 .LBB2_2-.Ltmp0, $3  }
0x52: {  	_ =	sdelay $0x1  }
0x53: {  	v6 =	vor.u32 s6, v1  }
0x54: {  	s25 =	sshra.s32 s25, $0x2;
	v6 =	vshrl.u32 v6, $0x1  }
0x55: {  	[tilespmem:s25+$0x280] =	vst v6  }
0x56: {  	_ =	strace $0x90000048  }
0x57: {  	_ =	strace $0x80000049  }
0x58: {  	s6 =	simm.s32 $0x180;
	[bflag:$0x0] =	sbarrier.arrive $0xFFFF  }
0x59: {  	s15 =	simm.s32 $0x100;
	s26 =	simm.s32 $0x280;
	s1 =	rddreg [dreg:$0x2]  }
0x5a: {  	[spmem:s1] =	stream.indirect.scatter [tilespmem:s26], [sflag:$0x9], $0x1, s6, s15, $0x2000b8;
	[tilespmem:$0x105C8] =	vst v63  }
0x5b: {  	_ =	swait.ge [sflag:s18], $0x100  }
0x5c: {  	[sflag:s18] =	ssyncset.done $0x0  }
0x5d: {  	[sflag:s18] =	ssyncadd.s32 $0xFFFFFF00  }
0x5e: {  	[bflag:$0x0] =	sbarrier.arrive $0xFFFF  }
0x5f: {  	_ =	strace $0x90000049  }
0x60: {  	s17 =	simm.s32 $0x4C8;
	s16 =	rddreg [dreg:$0x6]  }
0x61: {  	[tilespmem:s17], [sflag:$0x9] =	stream.linear.gather [spmem:s16], $0xA0, $0x38;
	[tilespmem:$0x105C8] =	vst v63  }
0x62: {  	_ =	swait.ge [sflag:s18], $0xA0  }
0x63: {  	[sflag:s18] =	ssyncset.done $0x0  }
0x64: {  	[sflag:s18] =	ssyncadd.s32 $0xFFFFFF60  }
0x65: {  	_ =	strace $0x8000004A  }
0x66: {  	v6 =	vld [tilespmem:$0x4C8];
	_ =	sdelay $0x4  }
0x67: {  	v7 =	vshll.u32 v6, $0x3  }
0x68: {  	v6 =	vand.u32 $0x7, v6;
	v7 =	vand.u32 $0xFFFFFFC0, v7  }
0x69: {  	v6 =	vor.u32 v6, v7  }
0x6a: {  	v7 =	vperm.xlane v6, v3;
	_ =	sdelay $0x1  }
0x6b: {  	v7 =	vadd.s32 v4, v7;
	_ =	sdelay $0x4  }
0x6c: {  	[tilespmem:s28], [sflag:$0x1] =	stream.indirect_vreg.gather [hbm4b:s4+s3], $0x80, v7, vm0, $0x2000b8;
	[tilespmem:$0x105C8] =	vst v63  }
0x6d: {  	s23 =	simm.s32 $0xDC8;
	v6 =	vperm.xlane v6, v5  }
0x6e: {  	[tilespmem:s23], [sflag:$0x1] =	stream.indirect_vreg.gather [hbm4b:s9+s3], $0x80, v7, vm0, $0x2000b8;
	[tilespmem:$0x105C8] =	vst v63  }
0x6f: {  	s25 =	simm.s32 $0x15C8;
	v6 =	vadd.s32 v4, v6  }
0x70: {  	[tilespmem:s25], [sflag:$0x1] =	stream.indirect_vreg.gather [hbm4b:s10+s3], $0x80, v7, vm0, $0x2000b8;
	[tilespmem:$0x105C8] =	vst v63  }
0x71: {  	s26 =	simm.s32 $0x1DC8  }
0x72: {  	[tilespmem:s26], [sflag:$0x1] =	stream.indirect_vreg.gather [hbm4b:s12+s3], $0x80, v7, vm0, $0x2000b8;
	[tilespmem:$0x105C8] =	vst v63  }
0x73: {  	s2 =	simm.s32 $0x25C8  }
0x74: {  	[tilespmem:s2], [sflag:$0x1] =	stream.indirect_vreg.gather [hbm4b:s4+s3], $0x80, v6, vm0, $0x2000b8;
	[tilespmem:$0x105C8] =	vst v63  }
0x75: {  	s5 =	simm.s32 $0x2DC8  }
0x76: {  	[tilespmem:s5], [sflag:$0x1] =	stream.indirect_vreg.gather [hbm4b:s9+s3], $0x80, v6, vm0, $0x2000b8;
	[tilespmem:$0x105C8] =	vst v63  }
0x77: {  	s16 =	simm.s32 $0x35C8  }
0x78: {  	[tilespmem:s16], [sflag:$0x1] =	stream.indirect_vreg.gather [hbm4b:s10+s3], $0x80, v6, vm0, $0x2000b8;
	[tilespmem:$0x105C8] =	vst v63  }
0x79: {  	s25 =	simm.s32 $0x3DC8  }
0x7a: {  	[tilespmem:s25], [sflag:$0x1] =	stream.indirect_vreg.gather [hbm4b:s12+s3], $0x80, v6, vm0, $0x2000b8;
	[tilespmem:$0x105C8] =	vst v63  }
0x7b: {  	v6 =	vld [tilespmem:$0x4D8];
	_ =	sdelay $0x4  }
0x7c: {  	v7 =	vshll.u32 v6, $0x3  }
0x7d: {  	v6 =	vand.u32 $0x7, v6;
	v7 =	vand.u32 $0xFFFFFFC0, v7  }
0x7e: {  	v6 =	vor.u32 v6, v7  }
0x7f: {  	v7 =	vperm.xlane v6, v3;
	_ =	sdelay $0x1  }
0x80: {  	v7 =	vadd.s32 v4, v7;
	_ =	sdelay $0x4  }
0x81: {  	[tilespmem:s11], [sflag:$0x2] =	stream.indirect_vreg.gather [hbm4b:s4+s3], $0x80, v7, vm0, $0x2000b8;
	[tilespmem:$0x105C8] =	vst v63  }
0x82: {  	s26 =	simm.s32 $0x4DC8;
	v6 =	vperm.xlane v6, v5  }
0x83: {  	[tilespmem:s26], [sflag:$0x2] =	stream.indirect_vreg.gather [hbm4b:s9+s3], $0x80, v7, vm0, $0x2000b8;
	[tilespmem:$0x105C8] =	vst v63  }
0x84: {  	s2 =	simm.s32 $0x55C8;
	v6 =	vadd.s32 v4, v6  }
0x85: {  	[tilespmem:s2], [sflag:$0x2] =	stream.indirect_vreg.gather [hbm4b:s10+s3], $0x80, v7, vm0, $0x2000b8;
	[tilespmem:$0x105C8] =	vst v63  }
0x86: {  	s5 =	simm.s32 $0x5DC8  }
0x87: {  	[tilespmem:s5], [sflag:$0x2] =	stream.indirect_vreg.gather [hbm4b:s12+s3], $0x80, v7, vm0, $0x2000b8;
	[tilespmem:$0x105C8] =	vst v63  }
0x88: {  	s25 =	simm.s32 $0x65C8  }
0x89: {  	[tilespmem:s25], [sflag:$0x2] =	stream.indirect_vreg.gather [hbm4b:s4+s3], $0x80, v6, vm0, $0x2000b8;
	[tilespmem:$0x105C8] =	vst v63  }
0x8a: {  	s26 =	simm.s32 $0x6DC8  }
0x8b: {  	[tilespmem:s26], [sflag:$0x2] =	stream.indirect_vreg.gather [hbm4b:s9+s3], $0x80, v6, vm0, $0x2000b8;
	[tilespmem:$0x105C8] =	vst v63  }
0x8c: {  	s2 =	simm.s32 $0x75C8  }
0x8d: {  	[tilespmem:s2], [sflag:$0x2] =	stream.indirect_vreg.gather [hbm4b:s10+s3], $0x80, v6, vm0, $0x2000b8;
	[tilespmem:$0x105C8] =	vst v63  }
0x8e: {  	s5 =	simm.s32 $0x7DC8  }
0x8f: {  	[tilespmem:s5], [sflag:$0x2] =	stream.indirect_vreg.gather [hbm4b:s12+s3], $0x80, v6, vm0, $0x2000b8;
	[tilespmem:$0x105C8] =	vst v63  }
0x90: {  	v6 =	vld [tilespmem:$0x4E8];
	_ =	sdelay $0x4  }
0x91: {  	v7 =	vshll.u32 v6, $0x3  }
0x92: {  	v6 =	vand.u32 $0x7, v6;
	v7 =	vand.u32 $0xFFFFFFC0, v7  }
0x93: {  	v6 =	vor.u32 v6, v7  }
0x94: {  	v7 =	vperm.xlane v6, v3;
	_ =	sdelay $0x1  }
0x95: {  	v7 =	vadd.s32 v4, v7;
	_ =	sdelay $0x4  }
0x96: {  	[tilespmem:s30], [sflag:$0x3] =	stream.indirect_vreg.gather [hbm4b:s4+s3], $0x80, v7, vm0, $0x2000b8;
	[tilespmem:$0x105C8] =	vst v63  }
0x97: {  	v6 =	vperm.xlane v6, v5  }
0x98: {  	[tilespmem:s31], [sflag:$0x3] =	stream.indirect_vreg.gather [hbm4b:s9+s3], $0x80, v7, vm0, $0x2000b8;
	[tilespmem:$0x105C8] =	vst v63  }
0x99: {  	s2 =	simm.s32 $0x95C8;
	v6 =	vadd.s32 v4, v6  }
0x9a: {  	[tilespmem:s2], [sflag:$0x3] =	stream.indirect_vreg.gather [hbm4b:s10+s3], $0x80, v7, vm0, $0x2000b8;
	[tilespmem:$0x105C8] =	vst v63  }
0x9b: {  	s5 =	simm.s32 $0x9DC8  }
0x9c: {  	[tilespmem:s5], [sflag:$0x3] =	stream.indirect_vreg.gather [hbm4b:s12+s3], $0x80, v7, vm0, $0x2000b8;
	[tilespmem:$0x105C8] =	vst v63  }
0x9d: {  	_ = 	snop  }
0x9e: {  	[tilespmem:s7], [sflag:$0x3] =	stream.indirect_vreg.gather [hbm4b:s4+s3], $0x80, v6, vm0, $0x2000b8;
	[tilespmem:$0x105C8] =	vst v63  }
0x9f: {  	_ = 	snop  }
0xa0: {  	[tilespmem:s8], [sflag:$0x3] =	stream.indirect_vreg.gather [hbm4b:s9+s3], $0x80, v6, vm0, $0x2000b8;
	[tilespmem:$0x105C8] =	vst v63  }
0xa1: {  	_ = 	snop  }
0xa2: {  	[tilespmem:s13], [sflag:$0x3] =	stream.indirect_vreg.gather [hbm4b:s10+s3], $0x80, v6, vm0, $0x2000b8;
	[tilespmem:$0x105C8] =	vst v63  }
0xa3: {  	_ = 	snop  }
0xa4: {  	[tilespmem:s14], [sflag:$0x3] =	stream.indirect_vreg.gather [hbm4b:s12+s3], $0x80, v6, vm0, $0x2000b8;
	[tilespmem:$0x105C8] =	vst v63  }
0xa5: {  	v6 =	vld [tilespmem:$0x4F8];
	_ =	sdelay $0x4  }
0xa6: {  	v7 =	vshll.u32 v6, $0x3  }
0xa7: {  	v6 =	vand.u32 $0x7, v6;
	v7 =	vand.u32 $0xFFFFFFC0, v7  }
0xa8: {  	v6 =	vor.u32 v6, v7  }
0xa9: {  	v7 =	vperm.xlane v6, v3;
	_ =	sdelay $0x1  }
0xaa: {  	v7 =	vadd.s32 v4, v7;
	_ =	sdelay $0x4  }
0xab: {  	[tilespmem:s19], [sflag:$0x4] =	stream.indirect_vreg.gather [hbm4b:s4+s3], $0x80, v7, vm0, $0x2000b8;
	[tilespmem:$0x105C8] =	vst v63  }
0xac: {  	s25 =	simm.s32 $0xCDC8;
	v6 =	vperm.xlane v6, v5  }
0xad: {  	[tilespmem:s25], [sflag:$0x4] =	stream.indirect_vreg.gather [hbm4b:s9+s3], $0x80, v7, vm0, $0x2000b8;
	[tilespmem:$0x105C8] =	vst v63  }
0xae: {  	s26 =	simm.s32 $0xD5C8;
	v6 =	vadd.s32 v4, v6  }
0xaf: {  	[tilespmem:s26], [sflag:$0x4] =	stream.indirect_vreg.gather [hbm4b:s10+s3], $0x80, v7, vm0, $0x2000b8;
	[tilespmem:$0x105C8] =	vst v63  }
0xb0: {  	s1 =	simm.s32 $0xDDC8  }
0xb1: {  	[tilespmem:s1], [sflag:$0x4] =	stream.indirect_vreg.gather [hbm4b:s12+s3], $0x80, v7, vm0, $0x2000b8;
	[tilespmem:$0x105C8] =	vst v63  }
0xb2: {  	s1 =	simm.s32 $0xE5C8  }
0xb3: {  	[tilespmem:s1], [sflag:$0x4] =	stream.indirect_vreg.gather [hbm4b:s4+s3], $0x80, v6, vm0, $0x2000b8;
	[tilespmem:$0x105C8] =	vst v63  }
0xb4: {  	_ = 	snop  }
0xb5: {  	[tilespmem:s29], [sflag:$0x4] =	stream.indirect_vreg.gather [hbm4b:s9+s3], $0x80, v6, vm0, $0x2000b8;
	[tilespmem:$0x105C8] =	vst v63  }
0xb6: {  	_ = 	snop  }
0xb7: {  	[tilespmem:s24], [sflag:$0x4] =	stream.indirect_vreg.gather [hbm4b:s10+s3], $0x80, v6, vm0, $0x2000b8;
	[tilespmem:$0x105C8] =	vst v63  }
0xb8: {  	_ = 	snop  }
0xb9: {  	[tilespmem:s20], [sflag:$0x4] =	stream.indirect_vreg.gather [hbm4b:s12+s3], $0x80, v6, vm0, $0x2000b8;
	[tilespmem:$0x105C8] =	vst v63  }
0xba: {  	_ =	swait.ge [sflag:s21], $0x4000  }
0xbb: {  	[sflag:s21] =	ssyncset.done $0x0  }
0xbc: {  	s1 =	rddreg [dreg:$0x7];
	[sflag:s21] =	ssyncadd.s32 $0xFFFFC000  }
0xbd: {  	[hbm4b:s1+s3] =	stream.linear.scatter [tilespmem:s28], [sflag:$0x5], $0x4000, $0x200038;
	[tilespmem:$0x105C8] =	vst v63  }
0xbe: {  	_ =	swait.ge [sflag:s22], $0x4000  }
0xbf: {  	[sflag:s22] =	ssyncset.done $0x0  }
0xc0: {  	[sflag:s22] =	ssyncadd.s32 $0xFFFFC000  }
0xc1: {  	v6 =	vld [tilespmem:$0x508];
	_ =	sdelay $0x4  }
0xc2: {  	v7 =	vshll.u32 v6, $0x3  }
0xc3: {  	v6 =	vand.u32 $0x7, v6;
	v7 =	vand.u32 $0xFFFFFFC0, v7  }
0xc4: {  	v6 =	vor.u32 v6, v7  }
0xc5: {  	v7 =	vperm.xlane v6, v3;
	_ =	sdelay $0x1  }
0xc6: {  	v7 =	vadd.s32 v4, v7;
	_ =	sdelay $0x4  }
0xc7: {  	[tilespmem:s28], [sflag:$0x1] =	stream.indirect_vreg.gather [hbm4b:s4+s3], $0x80, v7, vm0, $0x2000b8;
	[tilespmem:$0x105C8] =	vst v63  }
0xc8: {  	s15 =	simm.s32 $0xDC8;
	v6 =	vperm.xlane v6, v5  }
0xc9: {  	[tilespmem:s15], [sflag:$0x1] =	stream.indirect_vreg.gather [hbm4b:s9+s3], $0x80, v7, vm0, $0x2000b8;
	[tilespmem:$0x105C8] =	vst v63  }
0xca: {  	v6 =	vadd.s32 v4, v6;
	s15 =	simm.s32 $0x15C8  }
0xcb: {  	[tilespmem:s15], [sflag:$0x1] =	stream.indirect_vreg.gather [hbm4b:s10+s3], $0x80, v7, vm0, $0x2000b8;
	[tilespmem:$0x105C8] =	vst v63  }
0xcc: {  	s23 =	simm.s32 $0x1DC8  }
0xcd: {  	[tilespmem:s23], [sflag:$0x1] =	stream.indirect_vreg.gather [hbm4b:s12+s3], $0x80, v7, vm0, $0x2000b8;
	[tilespmem:$0x105C8] =	vst v63  }
0xce: {  	s15 =	simm.s32 $0x25C8  }
0xcf: {  	[tilespmem:s15], [sflag:$0x1] =	stream.indirect_vreg.gather [hbm4b:s4+s3], $0x80, v6, vm0, $0x2000b8;
	[tilespmem:$0x105C8] =	vst v63  }
0xd0: {  	s17 =	simm.s32 $0x2DC8  }
0xd1: {  	[tilespmem:s17], [sflag:$0x1] =	stream.indirect_vreg.gather [hbm4b:s9+s3], $0x80, v6, vm0, $0x2000b8;
	[tilespmem:$0x105C8] =	vst v63  }
0xd2: {  	s23 =	simm.s32 $0x35C8  }
0xd3: {  	[tilespmem:s23], [sflag:$0x1] =	stream.indirect_vreg.gather [hbm4b:s10+s3], $0x80, v6, vm0, $0x2000b8;
	[tilespmem:$0x105C8] =	vst v63  }
0xd4: {  	s16 =	simm.s32 $0x3DC8;
	s23 =	simm.s32 $0x2  }
0xd5: {  	[tilespmem:s16], [sflag:$0x1] =	stream.indirect_vreg.gather [hbm4b:s12+s3], $0x80, v6, vm0, $0x2000b8;
	[tilespmem:$0x105C8] =	vst v63  }
0xd6: {  	_ =	swait.ge [sflag:s23], $0x4000  }
0xd7: {  	[sflag:s23] =	ssyncset.done $0x0  }
0xd8: {  	s15 =	rddreg [dreg:$0x8];
	[sflag:s23] =	ssyncadd.s32 $0xFFFFC000  }
0xd9: {  	[hbm4b:s15+s3] =	stream.linear.scatter [tilespmem:s11], [sflag:$0x6], $0x4000, $0x200038;
	[tilespmem:$0x105C8] =	vst v63  }
0xda: {  	s15 =	simm.s32 $0x6  }
0xdb: {  	_ =	swait.ge [sflag:s15], $0x4000  }
0xdc: {  	[sflag:s15] =	ssyncset.done $0x0  }
0xdd: {  	[sflag:s15] =	ssyncadd.s32 $0xFFFFC000  }
0xde: {  	v6 =	vld [tilespmem:$0x518];
	_ =	sdelay $0x4  }
0xdf: {  	v7 =	vshll.u32 v6, $0x3  }
0xe0: {  	v6 =	vand.u32 $0x7, v6;
	v7 =	vand.u32 $0xFFFFFFC0, v7  }
0xe1: {  	v6 =	vor.u32 v6, v7  }
0xe2: {  	v7 =	vperm.xlane v6, v3;
	_ =	sdelay $0x1  }
0xe3: {  	v7 =	vadd.s32 v4, v7;
	_ =	sdelay $0x4  }
0xe4: {  	[tilespmem:s11], [sflag:$0x2] =	stream.indirect_vreg.gather [hbm4b:s4+s3], $0x80, v7, vm0, $0x2000b8;
	[tilespmem:$0x105C8] =	vst v63  }
0xe5: {  	s16 =	simm.s32 $0x4DC8;
	v6 =	vperm.xlane v6, v5  }
0xe6: {  	[tilespmem:s16], [sflag:$0x2] =	stream.indirect_vreg.gather [hbm4b:s9+s3], $0x80, v7, vm0, $0x2000b8;
	[tilespmem:$0x105C8] =	vst v63  }
0xe7: {  	s17 =	simm.s32 $0x55C8;
	v6 =	vadd.s32 v4, v6  }
0xe8: {  	[tilespmem:s17], [sflag:$0x2] =	stream.indirect_vreg.gather [hbm4b:s10+s3], $0x80, v7, vm0, $0x2000b8;
	[tilespmem:$0x105C8] =	vst v63  }
0xe9: {  	s16 =	simm.s32 $0x5DC8  }
0xea: {  	[tilespmem:s16], [sflag:$0x2] =	stream.indirect_vreg.gather [hbm4b:s12+s3], $0x80, v7, vm0, $0x2000b8;
	[tilespmem:$0x105C8] =	vst v63  }
0xeb: {  	s17 =	simm.s32 $0x65C8  }
0xec: {  	[tilespmem:s17], [sflag:$0x2] =	stream.indirect_vreg.gather [hbm4b:s4+s3], $0x80, v6, vm0, $0x2000b8;
	[tilespmem:$0x105C8] =	vst v63  }
0xed: {  	s16 =	simm.s32 $0x6DC8  }
0xee: {  	[tilespmem:s16], [sflag:$0x2] =	stream.indirect_vreg.gather [hbm4b:s9+s3], $0x80, v6, vm0, $0x2000b8;
	[tilespmem:$0x105C8] =	vst v63  }
0xef: {  	s17 =	simm.s32 $0x75C8  }
0xf0: {  	[tilespmem:s17], [sflag:$0x2] =	stream.indirect_vreg.gather [hbm4b:s10+s3], $0x80, v6, vm0, $0x2000b8;
	[tilespmem:$0x105C8] =	vst v63  }
0xf1: {  	s16 =	simm.s32 $0x7DC8  }
0xf2: {  	[tilespmem:s16], [sflag:$0x2] =	stream.indirect_vreg.gather [hbm4b:s12+s3], $0x80, v6, vm0, $0x2000b8;
	[tilespmem:$0x105C8] =	vst v63  }
0xf3: {  	s16 =	simm.s32 $0x3  }
0xf4: {  	_ =	swait.ge [sflag:s16], $0x4000  }
0xf5: {  	[sflag:s16] =	ssyncset.done $0x0  }
0xf6: {  	s17 =	rddreg [dreg:$0x9];
	[sflag:s16] =	ssyncadd.s32 $0xFFFFC000  }
0xf7: {  	[hbm4b:s17+s3] =	stream.linear.scatter [tilespmem:s30], [sflag:$0x7], $0x4000, $0x200038;
	[tilespmem:$0x105C8] =	vst v63  }
0xf8: {  	s17 =	simm.s32 $0x7  }
0xf9: {  	_ =	swait.ge [sflag:s17], $0x4000  }
0xfa: {  	[sflag:s17] =	ssyncset.done $0x0  }
0xfb: {  	[sflag:s17] =	ssyncadd.s32 $0xFFFFC000  }
0xfc: {  	v6 =	vld [tilespmem:$0x528];
	_ =	sdelay $0x4  }
0xfd: {  	v7 =	vshll.u32 v6, $0x3  }
0xfe: {  	v6 =	vand.u32 $0x7, v6;
	v7 =	vand.u32 $0xFFFFFFC0, v7  }
0xff: {  	v6 =	vor.u32 v6, v7  }
0x100: {  	v7 =	vperm.xlane v6, v3;
	_ =	sdelay $0x1  }
0x101: {  	v7 =	vadd.s32 v4, v7;
	_ =	sdelay $0x4  }
0x102: {  	[tilespmem:s30], [sflag:$0x3] =	stream.indirect_vreg.gather [hbm4b:s4+s3], $0x80, v7, vm0, $0x2000b8;
	[tilespmem:$0x105C8] =	vst v63  }
0x103: {  	v6 =	vperm.xlane v6, v5  }
0x104: {  	[tilespmem:s31], [sflag:$0x3] =	stream.indirect_vreg.gather [hbm4b:s9+s3], $0x80, v7, vm0, $0x2000b8;
	[tilespmem:$0x105C8] =	vst v63  }
0x105: {  	v6 =	vadd.s32 v4, v6  }
0x106: {  	[tilespmem:s2], [sflag:$0x3] =	stream.indirect_vreg.gather [hbm4b:s10+s3], $0x80, v7, vm0, $0x2000b8;
	[tilespmem:$0x105C8] =	vst v63  }
0x107: {  	_ = 	snop  }
0x108: {  	[tilespmem:s5], [sflag:$0x3] =	stream.indirect_vreg.gather [hbm4b:s12+s3], $0x80, v7, vm0, $0x2000b8;
	[tilespmem:$0x105C8] =	vst v63  }
0x109: {  	_ = 	snop  }
0x10a: {  	[tilespmem:s7], [sflag:$0x3] =	stream.indirect_vreg.gather [hbm4b:s4+s3], $0x80, v6, vm0, $0x2000b8;
	[tilespmem:$0x105C8] =	vst v63  }
0x10b: {  	_ = 	snop  }
0x10c: {  	[tilespmem:s8], [sflag:$0x3] =	stream.indirect_vreg.gather [hbm4b:s9+s3], $0x80, v6, vm0, $0x2000b8;
	[tilespmem:$0x105C8] =	vst v63  }
0x10d: {  	_ = 	snop  }
0x10e: {  	[tilespmem:s13], [sflag:$0x3] =	stream.indirect_vreg.gather [hbm4b:s10+s3], $0x80, v6, vm0, $0x2000b8;
	[tilespmem:$0x105C8] =	vst v63  }
0x10f: {  	s2 =	simm.s32 $0x4  }
0x110: {  	[tilespmem:s14], [sflag:$0x3] =	stream.indirect_vreg.gather [hbm4b:s12+s3], $0x80, v6, vm0, $0x2000b8;
	[tilespmem:$0x105C8] =	vst v63  }
0x111: {  	_ =	swait.ge [sflag:s2], $0x4000  }
0x112: {  	[sflag:s2] =	ssyncset.done $0x0  }
0x113: {  	s5 =	rddreg [dreg:$0xa];
	[sflag:s2] =	ssyncadd.s32 $0xFFFFC000  }
0x114: {  	[hbm4b:s5+s3] =	stream.linear.scatter [tilespmem:s19], [sflag:$0x8], $0x4000, $0x200038;
	[tilespmem:$0x105C8] =	vst v63  }
0x115: {  	s5 =	simm.s32 $0x8  }
0x116: {  	_ =	swait.ge [sflag:s5], $0x4000  }
0x117: {  	[sflag:s5] =	ssyncset.done $0x0  }
0x118: {  	[sflag:s5] =	ssyncadd.s32 $0xFFFFC000  }
0x119: {  	v6 =	vld [tilespmem:$0x538];
	_ =	sdelay $0x4  }
0x11a: {  	v7 =	vshll.u32 v6, $0x3  }
0x11b: {  	v6 =	vand.u32 $0x7, v6;
	v7 =	vand.u32 $0xFFFFFFC0, v7  }
0x11c: {  	v6 =	vor.u32 v6, v7  }
0x11d: {  	v7 =	vperm.xlane v6, v3;
	_ =	sdelay $0x1  }
0x11e: {  	v7 =	vadd.s32 v4, v7;
	_ =	sdelay $0x4  }
0x11f: {  	[tilespmem:s19], [sflag:$0x4] =	stream.indirect_vreg.gather [hbm4b:s4+s3], $0x80, v7, vm0, $0x2000b8;
	[tilespmem:$0x105C8] =	vst v63  }
0x120: {  	v6 =	vperm.xlane v6, v5  }
0x121: {  	[tilespmem:s25], [sflag:$0x4] =	stream.indirect_vreg.gather [hbm4b:s9+s3], $0x80, v7, vm0, $0x2000b8;
	[tilespmem:$0x105C8] =	vst v63  }
0x122: {  	v6 =	vadd.s32 v4, v6  }
0x123: {  	[tilespmem:s26], [sflag:$0x4] =	stream.indirect_vreg.gather [hbm4b:s10+s3], $0x80, v7, vm0, $0x2000b8;
	[tilespmem:$0x105C8] =	vst v63  }
0x124: {  	s26 =	simm.s32 $0xDDC8  }
0x125: {  	[tilespmem:s26], [sflag:$0x4] =	stream.indirect_vreg.gather [hbm4b:s12+s3], $0x80, v7, vm0, $0x2000b8;
	[tilespmem:$0x105C8] =	vst v63  }
0x126: {  	s25 =	simm.s32 $0xE5C8  }
0x127: {  	[tilespmem:s25], [sflag:$0x4] =	stream.indirect_vreg.gather [hbm4b:s4+s3], $0x80, v6, vm0, $0x2000b8;
	[tilespmem:$0x105C8] =	vst v63  }
0x128: {  	_ = 	snop  }
0x129: {  	[tilespmem:s29], [sflag:$0x4] =	stream.indirect_vreg.gather [hbm4b:s9+s3], $0x80, v6, vm0, $0x2000b8;
	[tilespmem:$0x105C8] =	vst v63  }
0x12a: {  	_ = 	snop  }
0x12b: {  	[tilespmem:s24], [sflag:$0x4] =	stream.indirect_vreg.gather [hbm4b:s10+s3], $0x80, v6, vm0, $0x2000b8;
	[tilespmem:$0x105C8] =	vst v63  }
0x12c: {  	_ = 	snop  }
0x12d: {  	[tilespmem:s20], [sflag:$0x4] =	stream.indirect_vreg.gather [hbm4b:s12+s3], $0x80, v6, vm0, $0x2000b8;
	[tilespmem:$0x105C8] =	vst v63  }
0x12e: {  	_ =	swait.ge [sflag:s21], $0x4000  }
0x12f: {  	[sflag:s21] =	ssyncset.done $0x0  }
0x130: {  	s26 =	rddreg [dreg:$0xb];
	[sflag:s21] =	ssyncadd.s32 $0xFFFFC000  }
0x131: {  	[hbm4b:s26+s3] =	stream.linear.scatter [tilespmem:s28], [sflag:$0x5], $0x4000, $0x200038;
	[tilespmem:$0x105C8] =	vst v63  }
0x132: {  	_ =	swait.ge [sflag:s22], $0x4000  }
0x133: {  	[sflag:s22] =	ssyncset.done $0x0  }
0x134: {  	[sflag:s22] =	ssyncadd.s32 $0xFFFFC000  }
0x135: {  	v6 =	vld [tilespmem:$0x548];
	_ =	sdelay $0x4  }
0x136: {  	v7 =	vshll.u32 v6, $0x3  }
0x137: {  	v6 =	vand.u32 $0x7, v6;
	v7 =	vand.u32 $0xFFFFFFC0, v7  }
0x138: {  	v6 =	vor.u32 v6, v7  }
0x139: {  	v7 =	vperm.xlane v6, v3;
	_ =	sdelay $0x1  }
0x13a: {  	v7 =	vadd.s32 v4, v7;
	_ =	sdelay $0x4  }
0x13b: {  	[tilespmem:s28], [sflag:$0x1] =	stream.indirect_vreg.gather [hbm4b:s4+s3], $0x80, v7, vm0, $0x2000b8;
	[tilespmem:$0x105C8] =	vst v63  }
0x13c: {  	s25 =	simm.s32 $0xDC8;
	v6 =	vperm.xlane v6, v5  }
0x13d: {  	[tilespmem:s25], [sflag:$0x1] =	stream.indirect_vreg.gather [hbm4b:s9+s3], $0x80, v7, vm0, $0x2000b8;
	[tilespmem:$0x105C8] =	vst v63  }
0x13e: {  	s26 =	simm.s32 $0x15C8;
	v6 =	vadd.s32 v4, v6  }
0x13f: {  	[tilespmem:s26], [sflag:$0x1] =	stream.indirect_vreg.gather [hbm4b:s10+s3], $0x80, v7, vm0, $0x2000b8;
	[tilespmem:$0x105C8] =	vst v63  }
0x140: {  	s25 =	simm.s32 $0x1DC8  }
0x141: {  	[tilespmem:s25], [sflag:$0x1] =	stream.indirect_vreg.gather [hbm4b:s12+s3], $0x80, v7, vm0, $0x2000b8;
	[tilespmem:$0x105C8] =	vst v63  }
0x142: {  	s26 =	simm.s32 $0x25C8  }
0x143: {  	[tilespmem:s26], [sflag:$0x1] =	stream.indirect_vreg.gather [hbm4b:s4+s3], $0x80, v6, vm0, $0x2000b8;
	[tilespmem:$0x105C8] =	vst v63  }
0x144: {  	s25 =	simm.s32 $0x2DC8  }
0x145: {  	[tilespmem:s25], [sflag:$0x1] =	stream.indirect_vreg.gather [hbm4b:s9+s3], $0x80, v6, vm0, $0x2000b8;
	[tilespmem:$0x105C8] =	vst v63  }
0x146: {  	s26 =	simm.s32 $0x35C8  }
0x147: {  	[tilespmem:s26], [sflag:$0x1] =	stream.indirect_vreg.gather [hbm4b:s10+s3], $0x80, v6, vm0, $0x2000b8;
	[tilespmem:$0x105C8] =	vst v63  }
0x148: {  	s25 =	simm.s32 $0x3DC8  }
0x149: {  	[tilespmem:s25], [sflag:$0x1] =	stream.indirect_vreg.gather [hbm4b:s12+s3], $0x80, v6, vm0, $0x2000b8;
	[tilespmem:$0x105C8] =	vst v63  }
0x14a: {  	_ =	swait.ge [sflag:s23], $0x4000  }
0x14b: {  	[sflag:s23] =	ssyncset.done $0x0  }
0x14c: {  	s26 =	rddreg [dreg:$0xc];
	[sflag:s23] =	ssyncadd.s32 $0xFFFFC000  }
0x14d: {  	[hbm4b:s26+s3] =	stream.linear.scatter [tilespmem:s11], [sflag:$0x6], $0x4000, $0x200038;
	[tilespmem:$0x105C8] =	vst v63  }
0x14e: {  	_ =	swait.ge [sflag:s15], $0x4000  }
0x14f: {  	[sflag:s15] =	ssyncset.done $0x0  }
0x150: {  	[sflag:s15] =	ssyncadd.s32 $0xFFFFC000  }
0x151: {  	v6 =	vld [tilespmem:$0x558];
	_ =	sdelay $0x4  }
0x152: {  	v7 =	vshll.u32 v6, $0x3  }
0x153: {  	v6 =	vand.u32 $0x7, v6;
	v7 =	vand.u32 $0xFFFFFFC0, v7  }
0x154: {  	v6 =	vor.u32 v6, v7  }
0x155: {  	v7 =	vperm.xlane v6, v3;
	_ =	sdelay $0x1  }
0x156: {  	v7 =	vadd.s32 v4, v7;
	_ =	sdelay $0x4  }
0x157: {  	[tilespmem:s11], [sflag:$0x2] =	stream.indirect_vreg.gather [hbm4b:s4+s3], $0x80, v7, vm0, $0x2000b8;
	[tilespmem:$0x105C8] =	vst v63  }
0x158: {  	s25 =	simm.s32 $0x4DC8;
	v6 =	vperm.xlane v6, v5  }
0x159: {  	[tilespmem:s25], [sflag:$0x2] =	stream.indirect_vreg.gather [hbm4b:s9+s3], $0x80, v7, vm0, $0x2000b8;
	[tilespmem:$0x105C8] =	vst v63  }
0x15a: {  	s26 =	simm.s32 $0x55C8;
	v6 =	vadd.s32 v4, v6  }
0x15b: {  	[tilespmem:s26], [sflag:$0x2] =	stream.indirect_vreg.gather [hbm4b:s10+s3], $0x80, v7, vm0, $0x2000b8;
	[tilespmem:$0x105C8] =	vst v63  }
0x15c: {  	s25 =	simm.s32 $0x5DC8  }
0x15d: {  	[tilespmem:s25], [sflag:$0x2] =	stream.indirect_vreg.gather [hbm4b:s12+s3], $0x80, v7, vm0, $0x2000b8;
	[tilespmem:$0x105C8] =	vst v63  }
0x15e: {  	s26 =	simm.s32 $0x65C8  }
0x15f: {  	[tilespmem:s26], [sflag:$0x2] =	stream.indirect_vreg.gather [hbm4b:s4+s3], $0x80, v6, vm0, $0x2000b8;
	[tilespmem:$0x105C8] =	vst v63  }
0x160: {  	s25 =	simm.s32 $0x6DC8  }
0x161: {  	[tilespmem:s25], [sflag:$0x2] =	stream.indirect_vreg.gather [hbm4b:s9+s3], $0x80, v6, vm0, $0x2000b8;
	[tilespmem:$0x105C8] =	vst v63  }
0x162: {  	s26 =	simm.s32 $0x75C8  }
0x163: {  	[tilespmem:s26], [sflag:$0x2] =	stream.indirect_vreg.gather [hbm4b:s10+s3], $0x80, v6, vm0, $0x2000b8;
	[tilespmem:$0x105C8] =	vst v63  }
0x164: {  	s25 =	simm.s32 $0x7DC8  }
0x165: {  	[tilespmem:s25], [sflag:$0x2] =	stream.indirect_vreg.gather [hbm4b:s12+s3], $0x80, v6, vm0, $0x2000b8;
	[tilespmem:$0x105C8] =	vst v63  }
0x166: {  	_ =	swait.ge [sflag:s16], $0x4000  }
0x167: {  	[sflag:s16] =	ssyncset.done $0x0  }
0x168: {  	s26 =	rddreg [dreg:$0xd];
	[sflag:s16] =	ssyncadd.s32 $0xFFFFC000  }
0x169: {  	[hbm4b:s26+s3] =	stream.linear.scatter [tilespmem:s30], [sflag:$0x7], $0x4000, $0x200038;
	[tilespmem:$0x105C8] =	vst v63  }
0x16a: {  	_ =	swait.ge [sflag:s2], $0x4000  }
0x16b: {  	[sflag:s2] =	ssyncset.done $0x0  }
0x16c: {  	[sflag:s2] =	ssyncadd.s32 $0xFFFFC000;
	s2 =	rddreg [dreg:$0xe]  }
0x16d: {  	[hbm4b:s2+s3] =	stream.linear.scatter [tilespmem:s19], [sflag:$0x8], $0x4000, $0x200038;
	[tilespmem:$0x105C8] =	vst v63  }
0x16e: {  	_ =	swait.ge [sflag:s21], $0x4000  }
0x16f: {  	[sflag:s21] =	ssyncset.done $0x0  }
0x170: {  	s16 =	rddreg [dreg:$0xf];
	[sflag:s21] =	ssyncadd.s32 $0xFFFFC000  }
0x171: {  	[hbm4b:s16+s3] =	stream.linear.scatter [tilespmem:s28], [sflag:$0x5], $0x4000, $0x200038;
	[tilespmem:$0x105C8] =	vst v63  }
0x172: {  	_ =	swait.ge [sflag:s23], $0x4000  }
0x173: {  	[sflag:s23] =	ssyncset.done $0x0  }
0x174: {  	s25 =	rddreg [dreg:$0x10];
	[sflag:s23] =	ssyncadd.s32 $0xFFFFC000  }
0x175: {  	[hbm4b:s25+s3] =	stream.linear.scatter [tilespmem:s11], [sflag:$0x6], $0x4000, $0x200038;
	[tilespmem:$0x105C8] =	vst v63  }
0x176: {  	_ =	swait.ge [sflag:s17], $0x4000  }
0x177: {  	[sflag:s17] =	ssyncset.done $0x0  }
0x178: {  	[sflag:s17] =	ssyncadd.s32 $0xFFFFC000  }
0x179: {  	_ =	swait.ge [sflag:s5], $0x4000  }
0x17a: {  	[sflag:s5] =	ssyncset.done $0x0  }
0x17b: {  	[sflag:s5] =	ssyncadd.s32 $0xFFFFC000  }
0x17c: {  	_ =	swait.ge [sflag:s22], $0x4000  }
0x17d: {  	[sflag:s22] =	ssyncset.done $0x0  }
0x17e: {  	[sflag:s22] =	ssyncadd.s32 $0xFFFFC000  }
0x17f: {  	_ =	swait.ge [sflag:s15], $0x4000  }
0x180: {  	s0 =	sadd.s32 $0x1, s0;
	s26 =	rddreg [dreg:$0x11]  }
0x181: {  	p0 =	sne.s32 s0, s26  }
.Ltmp1:
0x182: {  	_ = 	snop;
	(pc) =	sbr.rel @p0 .LBB2_1-.Ltmp1, $4  }
0x183: {  	_ = 	snop  }
0x184: {  	[sflag:s15] =	ssyncset.done $0x0  }
0x185: {  	[sflag:s15] =	ssyncadd.s32 $0xFFFFC000  }
0x186: {  	_ =	strace $0x9000004A  }
0x187: {  	_ =	sfence.sel $0x180000  }
0x188: {  	[bflag:$0x0] =	sbarrier.arrive $0xFFFF  }
0x189: {  	_ =	strace $0x90000047  }
0x18a: {  	s0 =	stileid.u32;
	[bflag:$0x2] =	sbarrier.arrive $0xFFFF  }
0x18b: {  	p0 =	sne.s32 s0, $0x0;
	s0 =	rddreg [dreg:$0x3]  }
0x18c: {  	s0 =	sadd.s32 @!p0 $0x100000, s0  }
0x18d: {  	[sflag:s0] =	ssyncadd.tile.s32 @!p0 $0x1;
	_ =	shalt  }
.Lfunc_end2:
_tile_overlayer_lowered:
.L_overlay_start_2:
0x18e: {  	(tag) =	ssettag $0x2  }
0x18f: {  	s0 =	rddreg [dreg:$0x0];
	s2 =	stileid.u32  }
0x190: {  	s1 =	rddreg [dreg:$0x1];
	p0 =	sne.s32 s2, $0x0  }
0x191: {  	s3 =	rddreg [dreg:$0x2];
	[bflag:$0x3] =	sbarrier.arrive $0xFFFF;
	s2 =	simm.s32 @!p0 $0x1C09  }
0x192: {  	[timem:s3], [sflag:s2] =	dma.local @!p0 [hbm:s0], s1  }
0x193: {  	s0 =	simm.s32 @!p0 $0x9  }
0x194: {  	_ =	swait.ge @!p0 [sflag:s0], s1  }
0x195: {  	s1 =	ssub.s32 @!p0 $0x0, s1;
	[sflag:s0] =	ssyncset.done @!p0 $0x0  }
0x196: {  	[sflag:s0] =	ssyncadd.s32 @!p0 s1  }
0x197: {  	[bflag:$0x3] =	sbarrier.arrive $0xFFFF  }
0x198: {  	_ =	shalt  }

</sc_bundles>
